<compile_context>
chip_gen: v7x
topology: tpu7x:2x2x1
jax: 0.10.2.dev20260603
libtpu: 0.0.44.dev20260713+nightly
codegen_flags: <defaults>
</compile_context>

<pallas_src>
import jax
import jax.numpy as jnp
from jax import lax
from jax.experimental import pallas as pl
from jax.experimental.pallas import tpu as pltpu
from jax.experimental.pallas import tpu_sc as plsc

N = 10000
E = 320000
D = 128
DH = D // 2
NC = 2
NS = 16
EPS = E // NS
K = 125
C = EPS // K
NP = 10112
RPT = NP // NS
DW = 8
_NBUF = 4
_PF = 2

_mesh = plsc.VectorSubcoreMesh(core_axis_name="c", subcore_axis_name="s",
                               num_cores=NC, num_subcores=NS)
_sc_params = pltpu.CompilerParams(use_tc_tiling_on_sc=False)


def _sc_layer(with_deg):
    out_type = [jax.ShapeDtypeStruct((NP, D), jnp.float32)]
    scratch = [
        pltpu.VMEM((C, K), jnp.int32),
        pltpu.VMEM((C, K), jnp.int32),
    ] + [pltpu.VMEM((K, DH), jnp.float32)] * _NBUF + [
        pltpu.VMEM_SHARED((NP, DH), jnp.float32),
    ] + [pltpu.SemaphoreType.DMA] * (2 * _NBUF)
    if with_deg:
        out_type.append(jax.ShapeDtypeStruct((NP, DW), jnp.float32))
        scratch += [
            pltpu.VMEM((K, DW), jnp.float32),
            pltpu.VMEM_SHARED((NP, DW), jnp.float32),
        ] + [pltpu.SemaphoreType.DMA] * _NBUF

    def body(y, srcL_r, srcR_r, dst_r, z, *rest):
        nb_ = _NBUF
        if with_deg:
            (z8, ones, agg_out, deg_out, idx_s, idx_d) = rest[:6]
            bufs = list(rest[6:6 + nb_])
            acc = rest[6 + nb_]
            gsem = list(rest[7 + nb_:7 + 2 * nb_])
            ssem = list(rest[7 + 2 * nb_:7 + 3 * nb_])
            ones_v = rest[7 + 3 * nb_]
            degacc = rest[8 + 3 * nb_]
            dsem = list(rest[9 + 3 * nb_:9 + 4 * nb_])
        else:
            (agg_out, idx_s, idx_d) = rest[:3]
            bufs = list(rest[3:3 + nb_])
            acc = rest[3 + nb_]
            gsem = list(rest[4 + nb_:4 + 2 * nb_])
            ssem = list(rest[4 + 2 * nb_:4 + 3 * nb_])

        cid = lax.axis_index("c")
        sid = lax.axis_index("s")
        row0 = sid * RPT
        is0 = cid == 0

        @pl.when(is0)
        def _():
            pltpu.sync_copy(srcL_r.at[sid], idx_s)

        @pl.when(cid == 1)
        def _():
            pltpu.sync_copy(srcR_r.at[sid], idx_s)

        pltpu.sync_copy(dst_r.at[sid], idx_d)
        pltpu.sync_copy(z, acc.at[pl.ds(row0, RPT)])
        if with_deg:
            @pl.when(is0)
            def _():
                pltpu.sync_copy(ones, ones_v)
                pltpu.sync_copy(z8, degacc.at[pl.ds(row0, RPT)])
        plsc.subcore_barrier()

        def gather(c, j):
            return pltpu.make_async_copy(y.at[idx_s.at[c]], bufs[j],
                                         gsem[j])

        def scat_start(c, j):
            pltpu.async_copy(bufs[j], acc.at[idx_d.at[c]], ssem[j],
                             add=True)

        def scat_wait(c, j):
            pltpu.make_async_copy(bufs[j], acc.at[idx_d.at[c]],
                                  ssem[j]).wait()

        def dscat_start(c, j):
            pltpu.async_copy(ones_v, degacc.at[idx_d.at[c]], dsem[j],
                             add=True)

        def dscat_wait(c, j):
            pltpu.make_async_copy(ones_v, degacc.at[idx_d.at[c]],
                                  dsem[j]).wait()

        for c in range(_PF):
            gather(c, c).start()

        def step(i, carry):
            for b in range(_NBUF):
                c = _NBUF * i + b
                gather(c, b).wait()
                scat_start(c, b)
                if with_deg:
                    @pl.when(is0)
                    def _():
                        @pl.when(c >= _NBUF)
                        def _():
                            dscat_wait(c - _NBUF, b)
                        dscat_start(c, b)
                nb = (b + _PF) % _NBUF

                @pl.when(c + _PF < C)
                def _():
                    @pl.when(c >= _PF)
                    def _():
                        scat_wait(c - _PF, nb)
                    gather(c + _PF, nb).start()
            return carry

        lax.fori_loop(0, C // _NBUF, step, 0)
        for c in range(C - _NBUF, C):
            scat_wait(c, c % _NBUF)
            if with_deg:
                @pl.when(is0)
                def _():
                    dscat_wait(c, c % _NBUF)

        plsc.subcore_barrier()
        col = cid * DH
        pltpu.sync_copy(acc.at[pl.ds(row0, RPT)],
                        agg_out.at[pl.ds(row0, RPT), pl.ds(col, DH)])
        if with_deg:
            @pl.when(is0)
            def _():
                pltpu.sync_copy(degacc.at[pl.ds(row0, RPT)],
                                deg_out.at[pl.ds(row0, RPT)])

    out = tuple(out_type) if with_deg else out_type[0]
    return pl.kernel(body, out_type=out, mesh=_mesh,
                     scratch_types=scratch, compiler_params=_sc_params)


_sc_layer1 = _sc_layer(with_deg=True)
_sc_layer2 = _sc_layer(with_deg=False)

_R = 5000


def _tc_matmul(x, w):
    def body(x_ref, w_ref, o_ref):
        o_ref[...] = jnp.dot(x_ref[...], w_ref[...],
                             preferred_element_type=jnp.float32)

    return pl.pallas_call(
        body,
        grid=(N // _R,),
        in_specs=[pl.BlockSpec((_R, D), lambda i: (i, 0)),
                  pl.BlockSpec((D, D), lambda i: (0, 0))],
        out_specs=pl.BlockSpec((_R, D), lambda i: (i, 0)),
        out_shape=jax.ShapeDtypeStruct((N, D), jnp.float32),
    )(x, w)


def _neigh(a_ref, y_ref, d_ref):
    deg = d_ref[...].sum(axis=-1) * (1.0 / DW)
    return (a_ref[...] + y_ref[...]) / (deg + 1.0)[:, None]


_agg_specs = [
    pl.BlockSpec((_R, D), lambda i: (i, 0)),
    pl.BlockSpec((_R, D), lambda i: (i, 0)),
    pl.BlockSpec((_R, DW), lambda i: (i, 0)),
    pl.BlockSpec((1, D), lambda i: (0, 0)),
]


def _tc_combine_matmul(a, y, degp, b, w):
    def body(a_ref, y_ref, d_ref, b_ref, w_ref, o_ref):
        h = jnp.maximum(_neigh(a_ref, y_ref, d_ref) + b_ref[...], 0.0)
        o_ref[...] = jnp.dot(h, w_ref[...],
                             preferred_element_type=jnp.float32)

    return pl.pallas_call(
        body,
        grid=(N // _R,),
        in_specs=_agg_specs + [pl.BlockSpec((D, D), lambda i: (0, 0))],
        out_specs=pl.BlockSpec((_R, D), lambda i: (i, 0)),
        out_shape=jax.ShapeDtypeStruct((N, D), jnp.float32),
    )(a, y, degp, b, w)


def _tc_combine(a, y, degp, b):
    def body(a_ref, y_ref, d_ref, b_ref, o_ref):
        o_ref[...] = _neigh(a_ref, y_ref, d_ref) + b_ref[...]

    return pl.pallas_call(
        body,
        grid=(N // _R,),
        in_specs=_agg_specs,
        out_specs=pl.BlockSpec((_R, D), lambda i: (i, 0)),
        out_shape=jax.ShapeDtypeStruct((N, D), jnp.float32),
    )(a, y, degp, b)


def kernel(feats, edge_index, W1, b1, W2, b2):
    src = edge_index[0]
    dst = edge_index[1].reshape(NS, C, K)
    src_l = (2 * src).reshape(NS, C, K)
    src_r = (2 * src + 1).reshape(NS, C, K)
    z = jnp.zeros((RPT, DH), jnp.float32)
    z8 = jnp.zeros((RPT, DW), jnp.float32)
    ones = jnp.ones((K, DW), jnp.float32)
    b1r = b1.reshape(1, D)
    b2r = b2.reshape(1, D)

    y1 = _tc_matmul(feats, W1)
    a1, degp = _sc_layer1(y1.reshape(2 * N, DH), src_l, src_r, dst,
                          z, z8, ones)
    y2 = _tc_combine_matmul(a1, y1, degp, b1r, W2)
    a2 = _sc_layer2(y2.reshape(2 * N, DH), src_l, src_r, dst, z)
    return _tc_combine(a2, y2, degp, b2r)

# --- scband reference (transcript-rebuilt; emitter-appended) ---
"""Pipeline reference for scband-sage-43078521979009 (READ-ONLY COPY).

The authoritative reference and input builder live on the scoring server;
editing this copy changes nothing except your own understanding.
"""

import jax, jax.numpy as jnp
import numpy as np

N = 10000
E = 320000
D_IN = 128
D_HID = 128
D_OUT = 128


def setup_inputs(seed: int = 0) -> dict:
    key = jax.random.key(seed)
    k1, k2, k3, k4, k5, k6 = jax.random.split(key, 6)
    feats = jax.random.normal(k1, (N, D_IN), dtype=jnp.float32)
    edge_index = jax.random.randint(k2, (2, E), 0, N, dtype=jnp.int32)
    W1 = jax.random.normal(k3, (D_IN, D_HID), dtype=jnp.float32) * 0.05
    b1 = jnp.zeros((D_HID,), dtype=jnp.float32)
    W2 = jax.random.normal(k4, (D_HID, D_OUT), dtype=jnp.float32) * 0.05
    b2 = jnp.zeros((D_OUT,), dtype=jnp.float32)
    return {"feats": feats, "edge_index": edge_index, "W1": W1, "b1": b1, "W2": W2, "b2": b2}


def _sage_gcn_layer(h, src, dst, W, b):
    # DGL SAGEConv aggregator_type='gcn':
    # h_neigh = (sum_{j in N(i)} h_j + h_i) / (in_degree(i) + 1); out = h_neigh @ W + b
    msgs = jnp.take(h, src, axis=0)
    agg = jax.ops.segment_sum(msgs, dst, num_segments=N)
    deg = jax.ops.segment_sum(jnp.ones((src.shape[0],), dtype=h.dtype), dst, num_segments=N)
    h_neigh = (agg + h) / (deg[:, None] + 1.0)
    return h_neigh @ W + b


def reference(feats, edge_index, W1, b1, W2, b2):
    src = edge_index[0]
    dst = edge_index[1]
    # layer 0 (full-neighbor block: num_dst_nodes == N, so h_dst == h)
    h = _sage_gcn_layer(feats, src, dst, W1, b1)
    # activation (relu), dropout_ratio=0.0 -> identity, norm_type='none'
    h = jax.nn.relu(h)
    # layer 1 (output layer, no activation)
    h = _sage_gcn_layer(h, src, dst, W2, b2)
    return h

if __name__ == "__main__":
    import jax
    _d = setup_inputs()
    print(jax.jit(kernel)(*tuple(_d.values())))

</pallas_src>

<mosaic_0001>
#map = affine_map<(d0, d1) -> (0, 0)>
#map1 = affine_map<(d0, d1) -> (0, 0, 0)>
module attributes {stable_mosaic.version = 14 : i64} {
  func.func @body(%arg0: i32, %arg1: i32, %arg2: memref<20000x64xf32, #tpu.memory_space<hbm>>, %arg3: memref<16x160x125xi32, #tpu.memory_space<hbm>>, %arg4: memref<16x160x125xi32, #tpu.memory_space<hbm>>, %arg5: memref<16x160x125xi32, #tpu.memory_space<hbm>>, %arg6: memref<632x64xf32, #tpu.memory_space<hbm>>, %arg7: memref<632x8xf32, #tpu.memory_space<hbm>>, %arg8: memref<125x8xf32, #tpu.memory_space<hbm>>, %arg9: memref<10112x128xf32, #tpu.memory_space<hbm>>, %arg10: memref<10112x8xf32, #tpu.memory_space<hbm>>, %arg11: memref<160x125xi32, #tpu.memory_space<vmem>>, %arg12: memref<160x125xi32, #tpu.memory_space<vmem>>, %arg13: memref<125x64xf32, #tpu.memory_space<vmem>>, %arg14: memref<125x64xf32, #tpu.memory_space<vmem>>, %arg15: memref<125x64xf32, #tpu.memory_space<vmem>>, %arg16: memref<125x64xf32, #tpu.memory_space<vmem>>, %arg17: memref<10112x64xf32, #tpu.memory_space<vmem_shared>>, %arg18: memref<!tpu.dma_semaphore, #tpu.memory_space<semaphore_mem>>, %arg19: memref<!tpu.dma_semaphore, #tpu.memory_space<semaphore_mem>>, %arg20: memref<!tpu.dma_semaphore, #tpu.memory_space<semaphore_mem>>, %arg21: memref<!tpu.dma_semaphore, #tpu.memory_space<semaphore_mem>>, %arg22: memref<!tpu.dma_semaphore, #tpu.memory_space<semaphore_mem>>, %arg23: memref<!tpu.dma_semaphore, #tpu.memory_space<semaphore_mem>>, %arg24: memref<!tpu.dma_semaphore, #tpu.memory_space<semaphore_mem>>, %arg25: memref<!tpu.dma_semaphore, #tpu.memory_space<semaphore_mem>>, %arg26: memref<125x8xf32, #tpu.memory_space<vmem>>, %arg27: memref<10112x8xf32, #tpu.memory_space<vmem_shared>>, %arg28: memref<!tpu.dma_semaphore, #tpu.memory_space<semaphore_mem>>, %arg29: memref<!tpu.dma_semaphore, #tpu.memory_space<semaphore_mem>>, %arg30: memref<!tpu.dma_semaphore, #tpu.memory_space<semaphore_mem>>, %arg31: memref<!tpu.dma_semaphore, #tpu.memory_space<semaphore_mem>>) attributes {dimension_semantics = [#tpu.dimension_semantics<core_parallel>, #tpu.dimension_semantics<subcore_parallel>], iteration_bounds = array<i64: 2, 16>, scalar_prefetch = 0 : i64, scratch_operands = 21 : i64, tpu.core_type = #tpu.core_type<sc_vector_subcore>, window_params = [{transform_indices = #map}, {transform_indices = #map1}, {transform_indices = #map1}, {transform_indices = #map1}, {transform_indices = #map}, {transform_indices = #map}, {transform_indices = #map}, {transform_indices = #map}, {transform_indices = #map}]} {
    %mul3A = arith.constant 632 : i32
    %mul3A_0 = arith.muli %arg1, %mul3A : i32
    %eq3A = arith.constant 0 : i32
    %eq3A_1 = arith.cmpi eq, %arg0, %eq3A : i32
    %convert_element_type3A = arith.extui %eq3A_1 : i1 to i32
    %cond3A = arith.constant 0 : i32
    %cond3A_2 = arith.cmpi ne, %convert_element_type3A, %cond3A : i32
    scf.if %cond3A_2 {
      "tpu.region"() ({
        %run_scoped3A = tpu.sem_alloc : memref<!tpu.dma_semaphore, #tpu.memory_space<semaphore_mem>>
        %dma_start3A_74 = arith.constant 0 : i32
        %dma_start3A_75 = arith.constant 0 : i32
        %dma_start3A_76 = tpu.memref_slice %arg3[%arg1, %dma_start3A_74, %dma_start3A_75] : memref<16x160x125xi32, #tpu.memory_space<hbm>> -> memref<1x160x125xi32, #tpu.memory_space<hbm>>
        %dma_start3A_77 = tpu.memref_squeeze %dma_start3A_76 : memref<1x160x125xi32, #tpu.memory_space<hbm>> -> memref<160x125xi32, #tpu.memory_space<hbm>>
        %dma_start3A_78 = arith.constant 0 : i32
        %dma_start3A_79 = arith.constant 0 : i32
        %dma_start3A_80 = tpu.memref_slice %arg3[%arg1, %dma_start3A_78, %dma_start3A_79] : memref<16x160x125xi32, #tpu.memory_space<hbm>> -> memref<1x160x125xi32, #tpu.memory_space<hbm>>
        %dma_start3A_81 = tpu.memref_squeeze %dma_start3A_80 : memref<1x160x125xi32, #tpu.memory_space<hbm>> -> memref<160x125xi32, #tpu.memory_space<hbm>>
        tpu.enqueue_dma source(%dma_start3A_81 : memref<160x125xi32, #tpu.memory_space<hbm>>) target(%arg11 : memref<160x125xi32, #tpu.memory_space<vmem>>) target_semaphore(%run_scoped3A : memref<!tpu.dma_semaphore, #tpu.memory_space<semaphore_mem>>)
        %dma_wait3A_82 = arith.constant 0 : i32
        %dma_wait3A_83 = arith.constant 0 : i32
        %dma_wait3A_84 = tpu.memref_slice %arg3[%arg1, %dma_wait3A_82, %dma_wait3A_83] : memref<16x160x125xi32, #tpu.memory_space<hbm>> -> memref<1x160x125xi32, #tpu.memory_space<hbm>>
        %dma_wait3A_85 = tpu.memref_squeeze %dma_wait3A_84 : memref<1x160x125xi32, #tpu.memory_space<hbm>> -> memref<160x125xi32, #tpu.memory_space<hbm>>
        %dma_wait3A_86 = arith.constant 0 : i32
        %dma_wait3A_87 = arith.constant 0 : i32
        %dma_wait3A_88 = tpu.memref_slice %arg3[%arg1, %dma_wait3A_86, %dma_wait3A_87] : memref<16x160x125xi32, #tpu.memory_space<hbm>> -> memref<1x160x125xi32, #tpu.memory_space<hbm>>
        %dma_wait3A_89 = tpu.memref_squeeze %dma_wait3A_88 : memref<1x160x125xi32, #tpu.memory_space<hbm>> -> memref<160x125xi32, #tpu.memory_space<hbm>>
        tpu.wait_dma2 semaphore(%run_scoped3A : memref<!tpu.dma_semaphore, #tpu.memory_space<semaphore_mem>>) src(%dma_wait3A_89 : memref<160x125xi32, #tpu.memory_space<hbm>>) dst(%arg11 : memref<160x125xi32, #tpu.memory_space<vmem>>)
        tpu.yield
      }) : () -> ()
    } else {
    }
    %eq3A_3 = arith.constant 1 : i32
    %eq3A_4 = arith.cmpi eq, %arg0, %eq3A_3 : i32
    %convert_element_type3A_5 = arith.extui %eq3A_4 : i1 to i32
    %cond3A_6 = arith.constant 0 : i32
    %cond3A_7 = arith.cmpi ne, %convert_element_type3A_5, %cond3A_6 : i32
    scf.if %cond3A_7 {
      "tpu.region"() ({
        %run_scoped3A = tpu.sem_alloc : memref<!tpu.dma_semaphore, #tpu.memory_space<semaphore_mem>>
        %dma_start3A_74 = arith.constant 0 : i32
        %dma_start3A_75 = arith.constant 0 : i32
        %dma_start3A_76 = tpu.memref_slice %arg4[%arg1, %dma_start3A_74, %dma_start3A_75] : memref<16x160x125xi32, #tpu.memory_space<hbm>> -> memref<1x160x125xi32, #tpu.memory_space<hbm>>
        %dma_start3A_77 = tpu.memref_squeeze %dma_start3A_76 : memref<1x160x125xi32, #tpu.memory_space<hbm>> -> memref<160x125xi32, #tpu.memory_space<hbm>>
        %dma_start3A_78 = arith.constant 0 : i32
        %dma_start3A_79 = arith.constant 0 : i32
        %dma_start3A_80 = tpu.memref_slice %arg4[%arg1, %dma_start3A_78, %dma_start3A_79] : memref<16x160x125xi32, #tpu.memory_space<hbm>> -> memref<1x160x125xi32, #tpu.memory_space<hbm>>
        %dma_start3A_81 = tpu.memref_squeeze %dma_start3A_80 : memref<1x160x125xi32, #tpu.memory_space<hbm>> -> memref<160x125xi32, #tpu.memory_space<hbm>>
        tpu.enqueue_dma source(%dma_start3A_81 : memref<160x125xi32, #tpu.memory_space<hbm>>) target(%arg11 : memref<160x125xi32, #tpu.memory_space<vmem>>) target_semaphore(%run_scoped3A : memref<!tpu.dma_semaphore, #tpu.memory_space<semaphore_mem>>)
        %dma_wait3A_82 = arith.constant 0 : i32
        %dma_wait3A_83 = arith.constant 0 : i32
        %dma_wait3A_84 = tpu.memref_slice %arg4[%arg1, %dma_wait3A_82, %dma_wait3A_83] : memref<16x160x125xi32, #tpu.memory_space<hbm>> -> memref<1x160x125xi32, #tpu.memory_space<hbm>>
        %dma_wait3A_85 = tpu.memref_squeeze %dma_wait3A_84 : memref<1x160x125xi32, #tpu.memory_space<hbm>> -> memref<160x125xi32, #tpu.memory_space<hbm>>
        %dma_wait3A_86 = arith.constant 0 : i32
        %dma_wait3A_87 = arith.constant 0 : i32
        %dma_wait3A_88 = tpu.memref_slice %arg4[%arg1, %dma_wait3A_86, %dma_wait3A_87] : memref<16x160x125xi32, #tpu.memory_space<hbm>> -> memref<1x160x125xi32, #tpu.memory_space<hbm>>
        %dma_wait3A_89 = tpu.memref_squeeze %dma_wait3A_88 : memref<1x160x125xi32, #tpu.memory_space<hbm>> -> memref<160x125xi32, #tpu.memory_space<hbm>>
        tpu.wait_dma2 semaphore(%run_scoped3A : memref<!tpu.dma_semaphore, #tpu.memory_space<semaphore_mem>>) src(%dma_wait3A_89 : memref<160x125xi32, #tpu.memory_space<hbm>>) dst(%arg11 : memref<160x125xi32, #tpu.memory_space<vmem>>)
        tpu.yield
      }) : () -> ()
    } else {
    }
    "tpu.region"() ({
      %run_scoped3A = tpu.sem_alloc : memref<!tpu.dma_semaphore, #tpu.memory_space<semaphore_mem>>
      %dma_start3A_74 = arith.constant 0 : i32
      %dma_start3A_75 = arith.constant 0 : i32
      %dma_start3A_76 = tpu.memref_slice %arg5[%arg1, %dma_start3A_74, %dma_start3A_75] : memref<16x160x125xi32, #tpu.memory_space<hbm>> -> memref<1x160x125xi32, #tpu.memory_space<hbm>>
      %dma_start3A_77 = tpu.memref_squeeze %dma_start3A_76 : memref<1x160x125xi32, #tpu.memory_space<hbm>> -> memref<160x125xi32, #tpu.memory_space<hbm>>
      %dma_start3A_78 = arith.constant 0 : i32
      %dma_start3A_79 = arith.constant 0 : i32
      %dma_start3A_80 = tpu.memref_slice %arg5[%arg1, %dma_start3A_78, %dma_start3A_79] : memref<16x160x125xi32, #tpu.memory_space<hbm>> -> memref<1x160x125xi32, #tpu.memory_space<hbm>>
      %dma_start3A_81 = tpu.memref_squeeze %dma_start3A_80 : memref<1x160x125xi32, #tpu.memory_space<hbm>> -> memref<160x125xi32, #tpu.memory_space<hbm>>
      tpu.enqueue_dma source(%dma_start3A_81 : memref<160x125xi32, #tpu.memory_space<hbm>>) target(%arg12 : memref<160x125xi32, #tpu.memory_space<vmem>>) target_semaphore(%run_scoped3A : memref<!tpu.dma_semaphore, #tpu.memory_space<semaphore_mem>>)
      %dma_wait3A_82 = arith.constant 0 : i32
      %dma_wait3A_83 = arith.constant 0 : i32
      %dma_wait3A_84 = tpu.memref_slice %arg5[%arg1, %dma_wait3A_82, %dma_wait3A_83] : memref<16x160x125xi32, #tpu.memory_space<hbm>> -> memref<1x160x125xi32, #tpu.memory_space<hbm>>
      %dma_wait3A_85 = tpu.memref_squeeze %dma_wait3A_84 : memref<1x160x125xi32, #tpu.memory_space<hbm>> -> memref<160x125xi32, #tpu.memory_space<hbm>>
      %dma_wait3A_86 = arith.constant 0 : i32
      %dma_wait3A_87 = arith.constant 0 : i32
      %dma_wait3A_88 = tpu.memref_slice %arg5[%arg1, %dma_wait3A_86, %dma_wait3A_87] : memref<16x160x125xi32, #tpu.memory_space<hbm>> -> memref<1x160x125xi32, #tpu.memory_space<hbm>>
      %dma_wait3A_89 = tpu.memref_squeeze %dma_wait3A_88 : memref<1x160x125xi32, #tpu.memory_space<hbm>> -> memref<160x125xi32, #tpu.memory_space<hbm>>
      tpu.wait_dma2 semaphore(%run_scoped3A : memref<!tpu.dma_semaphore, #tpu.memory_space<semaphore_mem>>) src(%dma_wait3A_89 : memref<160x125xi32, #tpu.memory_space<hbm>>) dst(%arg12 : memref<160x125xi32, #tpu.memory_space<vmem>>)
      tpu.yield
    }) : () -> ()
    "tpu.region"() ({
      %run_scoped3A = tpu.sem_alloc : memref<!tpu.dma_semaphore, #tpu.memory_space<semaphore_mem>>
      %dma_start3A_74 = arith.constant 0 : i32
      %dma_start3A_75 = tpu.memref_slice %arg17[%mul3A_0, %dma_start3A_74] : memref<10112x64xf32, #tpu.memory_space<vmem_shared>> -> memref<632x64xf32, #tpu.memory_space<vmem_shared>>
      tpu.enqueue_dma source(%arg6 : memref<632x64xf32, #tpu.memory_space<hbm>>) target(%dma_start3A_75 : memref<632x64xf32, #tpu.memory_space<vmem_shared>>) target_semaphore(%run_scoped3A : memref<!tpu.dma_semaphore, #tpu.memory_space<semaphore_mem>>)
      %dma_wait3A_76 = arith.constant 0 : i32
      %dma_wait3A_77 = tpu.memref_slice %arg17[%mul3A_0, %dma_wait3A_76] : memref<10112x64xf32, #tpu.memory_space<vmem_shared>> -> memref<632x64xf32, #tpu.memory_space<vmem_shared>>
      tpu.wait_dma2 semaphore(%run_scoped3A : memref<!tpu.dma_semaphore, #tpu.memory_space<semaphore_mem>>) src(%arg6 : memref<632x64xf32, #tpu.memory_space<hbm>>) dst(%dma_wait3A_77 : memref<632x64xf32, #tpu.memory_space<vmem_shared>>)
      tpu.yield
    }) : () -> ()
    %convert_element_type3A_8 = arith.extui %eq3A_1 : i1 to i32
    %cond3A_9 = arith.constant 0 : i32
    %cond3A_10 = arith.cmpi ne, %convert_element_type3A_8, %cond3A_9 : i32
    scf.if %cond3A_10 {
      "tpu.region"() ({
        %run_scoped3A = tpu.sem_alloc : memref<!tpu.dma_semaphore, #tpu.memory_space<semaphore_mem>>
        tpu.enqueue_dma source(%arg8 : memref<125x8xf32, #tpu.memory_space<hbm>>) target(%arg26 : memref<125x8xf32, #tpu.memory_space<vmem>>) target_semaphore(%run_scoped3A : memref<!tpu.dma_semaphore, #tpu.memory_space<semaphore_mem>>)
        tpu.wait_dma2 semaphore(%run_scoped3A : memref<!tpu.dma_semaphore, #tpu.memory_space<semaphore_mem>>) src(%arg8 : memref<125x8xf32, #tpu.memory_space<hbm>>) dst(%arg26 : memref<125x8xf32, #tpu.memory_space<vmem>>)
        tpu.yield
      }) : () -> ()
      "tpu.region"() ({
        %run_scoped3A = tpu.sem_alloc : memref<!tpu.dma_semaphore, #tpu.memory_space<semaphore_mem>>
        %dma_start3A_74 = arith.constant 0 : i32
        %dma_start3A_75 = tpu.memref_slice %arg27[%mul3A_0, %dma_start3A_74] : memref<10112x8xf32, #tpu.memory_space<vmem_shared>> -> memref<632x8xf32, #tpu.memory_space<vmem_shared>>
        tpu.enqueue_dma source(%arg7 : memref<632x8xf32, #tpu.memory_space<hbm>>) target(%dma_start3A_75 : memref<632x8xf32, #tpu.memory_space<vmem_shared>>) target_semaphore(%run_scoped3A : memref<!tpu.dma_semaphore, #tpu.memory_space<semaphore_mem>>)
        %dma_wait3A_76 = arith.constant 0 : i32
        %dma_wait3A_77 = tpu.memref_slice %arg27[%mul3A_0, %dma_wait3A_76] : memref<10112x8xf32, #tpu.memory_space<vmem_shared>> -> memref<632x8xf32, #tpu.memory_space<vmem_shared>>
        tpu.wait_dma2 semaphore(%run_scoped3A : memref<!tpu.dma_semaphore, #tpu.memory_space<semaphore_mem>>) src(%arg7 : memref<632x8xf32, #tpu.memory_space<hbm>>) dst(%dma_wait3A_77 : memref<632x8xf32, #tpu.memory_space<vmem_shared>>)
        tpu.yield
      }) : () -> ()
    } else {
    }
    %barrier3A = arith.constant 0 : index
    tpu.barrier barrier_id(%barrier3A)
    %dma_start3A = arith.constant 0 : i32
    %dma_start3A_11 = arith.constant 0 : i32
    %dma_start3A_12 = tpu.memref_slice %arg11[%dma_start3A, %dma_start3A_11] : memref<160x125xi32, #tpu.memory_space<vmem>> -> memref<1x125xi32, #tpu.memory_space<vmem>>
    %dma_start3A_13 = tpu.memref_squeeze %dma_start3A_12 : memref<1x125xi32, #tpu.memory_space<vmem>> -> memref<125xi32, #tpu.memory_space<vmem>>
    %dma_start3A_14 = arith.constant 0 : i32
    %dma_start3A_15 = arith.constant 0 : i32
    %dma_start3A_16 = tpu.memref_slice %arg2[%dma_start3A_14, %dma_start3A_15] : memref<20000x64xf32, #tpu.memory_space<hbm>> -> memref<20000x64xf32, #tpu.memory_space<hbm>>
    tpu.enqueue_indirect_dma source(%dma_start3A_16 : memref<20000x64xf32, #tpu.memory_space<hbm>>) target(%arg13 : memref<125x64xf32, #tpu.memory_space<vmem>>) offsets(%dma_start3A_13 : memref<125xi32, #tpu.memory_space<vmem>>) semaphore(%arg18 : memref<!tpu.dma_semaphore, #tpu.memory_space<semaphore_mem>>)
    %dma_start3A_17 = arith.constant 1 : i32
    %dma_start3A_18 = arith.constant 0 : i32
    %dma_start3A_19 = tpu.memref_slice %arg11[%dma_start3A_17, %dma_start3A_18] : memref<160x125xi32, #tpu.memory_space<vmem>> -> memref<1x125xi32, #tpu.memory_space<vmem>>
    %dma_start3A_20 = tpu.memref_squeeze %dma_start3A_19 : memref<1x125xi32, #tpu.memory_space<vmem>> -> memref<125xi32, #tpu.memory_space<vmem>>
    %dma_start3A_21 = arith.constant 0 : i32
    %dma_start3A_22 = arith.constant 0 : i32
    %dma_start3A_23 = tpu.memref_slice %arg2[%dma_start3A_21, %dma_start3A_22] : memref<20000x64xf32, #tpu.memory_space<hbm>> -> memref<20000x64xf32, #tpu.memory_space<hbm>>
    tpu.enqueue_indirect_dma source(%dma_start3A_23 : memref<20000x64xf32, #tpu.memory_space<hbm>>) target(%arg14 : memref<125x64xf32, #tpu.memory_space<vmem>>) offsets(%dma_start3A_20 : memref<125xi32, #tpu.memory_space<vmem>>) semaphore(%arg19 : memref<!tpu.dma_semaphore, #tpu.memory_space<semaphore_mem>>)
    %scan3A = arith.constant 0 : i32
    %scan3A_24 = arith.constant 0 : i32
    %scan3A_25 = arith.constant 40 : i32
    %scan3A_26 = arith.addi %scan3A_24, %scan3A_25 : i32
    %scan3A_27 = arith.constant 1 : i32
    scf.for %scan3A_74 = %scan3A_24 to %scan3A_26 step %scan3A_27  : i32 {
      %mul3A_75 = arith.constant 4 : i32
      %mul3A_76 = arith.muli %mul3A_75, %scan3A_74 : i32
      %add3A = arith.constant 0 : i32
      %add3A_77 = arith.addi %mul3A_76, %add3A : i32
      %dma_wait3A_78 = arith.constant 0 : i32
      %dma_wait3A_79 = tpu.memref_slice %arg11[%add3A_77, %dma_wait3A_78] : memref<160x125xi32, #tpu.memory_space<vmem>> -> memref<1x125xi32, #tpu.memory_space<vmem>>
      %dma_wait3A_80 = tpu.memref_squeeze %dma_wait3A_79 : memref<1x125xi32, #tpu.memory_space<vmem>> -> memref<125xi32, #tpu.memory_space<vmem>>
      %dma_wait3A_81 = arith.constant 0 : i32
      %dma_wait3A_82 = arith.constant 0 : i32
      %dma_wait3A_83 = tpu.memref_slice %arg2[%dma_wait3A_81, %dma_wait3A_82] : memref<20000x64xf32, #tpu.memory_space<hbm>> -> memref<20000x64xf32, #tpu.memory_space<hbm>>
      tpu.wait_indirect_dma semaphore(%arg18 : memref<!tpu.dma_semaphore, #tpu.memory_space<semaphore_mem>>) src(%dma_wait3A_83 : memref<20000x64xf32, #tpu.memory_space<hbm>>) dst(%arg13 : memref<125x64xf32, #tpu.memory_space<vmem>>)
      %dma_start3A_84 = arith.constant 0 : i32
      %dma_start3A_85 = tpu.memref_slice %arg12[%add3A_77, %dma_start3A_84] : memref<160x125xi32, #tpu.memory_space<vmem>> -> memref<1x125xi32, #tpu.memory_space<vmem>>
      %dma_start3A_86 = tpu.memref_squeeze %dma_start3A_85 : memref<1x125xi32, #tpu.memory_space<vmem>> -> memref<125xi32, #tpu.memory_space<vmem>>
      %dma_start3A_87 = arith.constant 0 : i32
      %dma_start3A_88 = arith.constant 0 : i32
      %dma_start3A_89 = tpu.memref_slice %arg17[%dma_start3A_87, %dma_start3A_88] : memref<10112x64xf32, #tpu.memory_space<vmem_shared>> -> memref<10112x64xf32, #tpu.memory_space<vmem_shared>>
      tpu.enqueue_indirect_dma source(%arg13 : memref<125x64xf32, #tpu.memory_space<vmem>>) target(%dma_start3A_89 : memref<10112x64xf32, #tpu.memory_space<vmem_shared>>) offsets(%dma_start3A_86 : memref<125xi32, #tpu.memory_space<vmem>>) semaphore(%arg22 : memref<!tpu.dma_semaphore, #tpu.memory_space<semaphore_mem>>) {add = true}
      %convert_element_type3A_90 = arith.extui %eq3A_1 : i1 to i32
      %cond3A_91 = arith.constant 0 : i32
      %cond3A_92 = arith.cmpi ne, %convert_element_type3A_90, %cond3A_91 : i32
      scf.if %cond3A_92 {
        %ge3A = arith.constant 4 : i32
        %ge3A_177 = arith.cmpi sge, %add3A_77, %ge3A : i32
        %convert_element_type3A_178 = arith.extui %ge3A_177 : i1 to i32
        %cond3A_179 = arith.constant 0 : i32
        %cond3A_180 = arith.cmpi ne, %convert_element_type3A_178, %cond3A_179 : i32
        scf.if %cond3A_180 {
          %sub3A = arith.constant 4 : i32
          %sub3A_187 = arith.subi %add3A_77, %sub3A : i32
          %dma_wait3A_188 = arith.constant 0 : i32
          %dma_wait3A_189 = tpu.memref_slice %arg12[%sub3A_187, %dma_wait3A_188] : memref<160x125xi32, #tpu.memory_space<vmem>> -> memref<1x125xi32, #tpu.memory_space<vmem>>
          %dma_wait3A_190 = tpu.memref_squeeze %dma_wait3A_189 : memref<1x125xi32, #tpu.memory_space<vmem>> -> memref<125xi32, #tpu.memory_space<vmem>>
          %dma_wait3A_191 = arith.constant 0 : i32
          %dma_wait3A_192 = arith.constant 0 : i32
          %dma_wait3A_193 = tpu.memref_slice %arg27[%dma_wait3A_191, %dma_wait3A_192] : memref<10112x8xf32, #tpu.memory_space<vmem_shared>> -> memref<10112x8xf32, #tpu.memory_space<vmem_shared>>
          tpu.wait_indirect_dma semaphore(%arg28 : memref<!tpu.dma_semaphore, #tpu.memory_space<semaphore_mem>>) src(%arg26 : memref<125x8xf32, #tpu.memory_space<vmem>>) dst(%dma_wait3A_193 : memref<10112x8xf32, #tpu.memory_space<vmem_shared>>)
        } else {
        }
        %dma_start3A_181 = arith.constant 0 : i32
        %dma_start3A_182 = tpu.memref_slice %arg12[%add3A_77, %dma_start3A_181] : memref<160x125xi32, #tpu.memory_space<vmem>> -> memref<1x125xi32, #tpu.memory_space<vmem>>
        %dma_start3A_183 = tpu.memref_squeeze %dma_start3A_182 : memref<1x125xi32, #tpu.memory_space<vmem>> -> memref<125xi32, #tpu.memory_space<vmem>>
        %dma_start3A_184 = arith.constant 0 : i32
        %dma_start3A_185 = arith.constant 0 : i32
        %dma_start3A_186 = tpu.memref_slice %arg27[%dma_start3A_184, %dma_start3A_185] : memref<10112x8xf32, #tpu.memory_space<vmem_shared>> -> memref<10112x8xf32, #tpu.memory_space<vmem_shared>>
        tpu.enqueue_indirect_dma source(%arg26 : memref<125x8xf32, #tpu.memory_space<vmem>>) target(%dma_start3A_186 : memref<10112x8xf32, #tpu.memory_space<vmem_shared>>) offsets(%dma_start3A_183 : memref<125xi32, #tpu.memory_space<vmem>>) semaphore(%arg28 : memref<!tpu.dma_semaphore, #tpu.memory_space<semaphore_mem>>) {add = true}
      } else {
      }
      %add3A_93 = arith.constant 2 : i32
      %add3A_94 = arith.addi %add3A_77, %add3A_93 : i32
      %lt3A = arith.constant 160 : i32
      %lt3A_95 = arith.cmpi slt, %add3A_94, %lt3A : i32
      %convert_element_type3A_96 = arith.extui %lt3A_95 : i1 to i32
      %cond3A_97 = arith.constant 0 : i32
      %cond3A_98 = arith.cmpi ne, %convert_element_type3A_96, %cond3A_97 : i32
      scf.if %cond3A_98 {
        %ge3A = arith.constant 2 : i32
        %ge3A_177 = arith.cmpi sge, %add3A_77, %ge3A : i32
        %convert_element_type3A_178 = arith.extui %ge3A_177 : i1 to i32
        %cond3A_179 = arith.constant 0 : i32
        %cond3A_180 = arith.cmpi ne, %convert_element_type3A_178, %cond3A_179 : i32
        scf.if %cond3A_180 {
          %sub3A = arith.constant 2 : i32
          %sub3A_189 = arith.subi %add3A_77, %sub3A : i32
          %dma_wait3A_190 = arith.constant 0 : i32
          %dma_wait3A_191 = tpu.memref_slice %arg12[%sub3A_189, %dma_wait3A_190] : memref<160x125xi32, #tpu.memory_space<vmem>> -> memref<1x125xi32, #tpu.memory_space<vmem>>
          %dma_wait3A_192 = tpu.memref_squeeze %dma_wait3A_191 : memref<1x125xi32, #tpu.memory_space<vmem>> -> memref<125xi32, #tpu.memory_space<vmem>>
          %dma_wait3A_193 = arith.constant 0 : i32
          %dma_wait3A_194 = arith.constant 0 : i32
          %dma_wait3A_195 = tpu.memref_slice %arg17[%dma_wait3A_193, %dma_wait3A_194] : memref<10112x64xf32, #tpu.memory_space<vmem_shared>> -> memref<10112x64xf32, #tpu.memory_space<vmem_shared>>
          tpu.wait_indirect_dma semaphore(%arg24 : memref<!tpu.dma_semaphore, #tpu.memory_space<semaphore_mem>>) src(%arg15 : memref<125x64xf32, #tpu.memory_space<vmem>>) dst(%dma_wait3A_195 : memref<10112x64xf32, #tpu.memory_space<vmem_shared>>)
        } else {
        }
        %add3A_181 = arith.constant 2 : i32
        %add3A_182 = arith.addi %add3A_77, %add3A_181 : i32
        %dma_start3A_183 = arith.constant 0 : i32
        %dma_start3A_184 = tpu.memref_slice %arg11[%add3A_182, %dma_start3A_183] : memref<160x125xi32, #tpu.memory_space<vmem>> -> memref<1x125xi32, #tpu.memory_space<vmem>>
        %dma_start3A_185 = tpu.memref_squeeze %dma_start3A_184 : memref<1x125xi32, #tpu.memory_space<vmem>> -> memref<125xi32, #tpu.memory_space<vmem>>
        %dma_start3A_186 = arith.constant 0 : i32
        %dma_start3A_187 = arith.constant 0 : i32
        %dma_start3A_188 = tpu.memref_slice %arg2[%dma_start3A_186, %dma_start3A_187] : memref<20000x64xf32, #tpu.memory_space<hbm>> -> memref<20000x64xf32, #tpu.memory_space<hbm>>
        tpu.enqueue_indirect_dma source(%dma_start3A_188 : memref<20000x64xf32, #tpu.memory_space<hbm>>) target(%arg15 : memref<125x64xf32, #tpu.memory_space<vmem>>) offsets(%dma_start3A_185 : memref<125xi32, #tpu.memory_space<vmem>>) semaphore(%arg20 : memref<!tpu.dma_semaphore, #tpu.memory_space<semaphore_mem>>)
      } else {
      }
      %mul3A_99 = arith.constant 4 : i32
      %mul3A_100 = arith.muli %mul3A_99, %scan3A_74 : i32
      %add3A_101 = arith.constant 1 : i32
      %add3A_102 = arith.addi %mul3A_100, %add3A_101 : i32
      %dma_wait3A_103 = arith.constant 0 : i32
      %dma_wait3A_104 = tpu.memref_slice %arg11[%add3A_102, %dma_wait3A_103] : memref<160x125xi32, #tpu.memory_space<vmem>> -> memref<1x125xi32, #tpu.memory_space<vmem>>
      %dma_wait3A_105 = tpu.memref_squeeze %dma_wait3A_104 : memref<1x125xi32, #tpu.memory_space<vmem>> -> memref<125xi32, #tpu.memory_space<vmem>>
      %dma_wait3A_106 = arith.constant 0 : i32
      %dma_wait3A_107 = arith.constant 0 : i32
      %dma_wait3A_108 = tpu.memref_slice %arg2[%dma_wait3A_106, %dma_wait3A_107] : memref<20000x64xf32, #tpu.memory_space<hbm>> -> memref<20000x64xf32, #tpu.memory_space<hbm>>
      tpu.wait_indirect_dma semaphore(%arg19 : memref<!tpu.dma_semaphore, #tpu.memory_space<semaphore_mem>>) src(%dma_wait3A_108 : memref<20000x64xf32, #tpu.memory_space<hbm>>) dst(%arg14 : memref<125x64xf32, #tpu.memory_space<vmem>>)
      %dma_start3A_109 = arith.constant 0 : i32
      %dma_start3A_110 = tpu.memref_slice %arg12[%add3A_102, %dma_start3A_109] : memref<160x125xi32, #tpu.memory_space<vmem>> -> memref<1x125xi32, #tpu.memory_space<vmem>>
      %dma_start3A_111 = tpu.memref_squeeze %dma_start3A_110 : memref<1x125xi32, #tpu.memory_space<vmem>> -> memref<125xi32, #tpu.memory_space<vmem>>
      %dma_start3A_112 = arith.constant 0 : i32
      %dma_start3A_113 = arith.constant 0 : i32
      %dma_start3A_114 = tpu.memref_slice %arg17[%dma_start3A_112, %dma_start3A_113] : memref<10112x64xf32, #tpu.memory_space<vmem_shared>> -> memref<10112x64xf32, #tpu.memory_space<vmem_shared>>
      tpu.enqueue_indirect_dma source(%arg14 : memref<125x64xf32, #tpu.memory_space<vmem>>) target(%dma_start3A_114 : memref<10112x64xf32, #tpu.memory_space<vmem_shared>>) offsets(%dma_start3A_111 : memref<125xi32, #tpu.memory_space<vmem>>) semaphore(%arg23 : memref<!tpu.dma_semaphore, #tpu.memory_space<semaphore_mem>>) {add = true}
      %convert_element_type3A_115 = arith.extui %eq3A_1 : i1 to i32
      %cond3A_116 = arith.constant 0 : i32
      %cond3A_117 = arith.cmpi ne, %convert_element_type3A_115, %cond3A_116 : i32
      scf.if %cond3A_117 {
        %ge3A = arith.constant 4 : i32
        %ge3A_177 = arith.cmpi sge, %add3A_102, %ge3A : i32
        %convert_element_type3A_178 = arith.extui %ge3A_177 : i1 to i32
        %cond3A_179 = arith.constant 0 : i32
        %cond3A_180 = arith.cmpi ne, %convert_element_type3A_178, %cond3A_179 : i32
        scf.if %cond3A_180 {
          %sub3A = arith.constant 4 : i32
          %sub3A_187 = arith.subi %add3A_102, %sub3A : i32
          %dma_wait3A_188 = arith.constant 0 : i32
          %dma_wait3A_189 = tpu.memref_slice %arg12[%sub3A_187, %dma_wait3A_188] : memref<160x125xi32, #tpu.memory_space<vmem>> -> memref<1x125xi32, #tpu.memory_space<vmem>>
          %dma_wait3A_190 = tpu.memref_squeeze %dma_wait3A_189 : memref<1x125xi32, #tpu.memory_space<vmem>> -> memref<125xi32, #tpu.memory_space<vmem>>
          %dma_wait3A_191 = arith.constant 0 : i32
          %dma_wait3A_192 = arith.constant 0 : i32
          %dma_wait3A_193 = tpu.memref_slice %arg27[%dma_wait3A_191, %dma_wait3A_192] : memref<10112x8xf32, #tpu.memory_space<vmem_shared>> -> memref<10112x8xf32, #tpu.memory_space<vmem_shared>>
          tpu.wait_indirect_dma semaphore(%arg29 : memref<!tpu.dma_semaphore, #tpu.memory_space<semaphore_mem>>) src(%arg26 : memref<125x8xf32, #tpu.memory_space<vmem>>) dst(%dma_wait3A_193 : memref<10112x8xf32, #tpu.memory_space<vmem_shared>>)
        } else {
        }
        %dma_start3A_181 = arith.constant 0 : i32
        %dma_start3A_182 = tpu.memref_slice %arg12[%add3A_102, %dma_start3A_181] : memref<160x125xi32, #tpu.memory_space<vmem>> -> memref<1x125xi32, #tpu.memory_space<vmem>>
        %dma_start3A_183 = tpu.memref_squeeze %dma_start3A_182 : memref<1x125xi32, #tpu.memory_space<vmem>> -> memref<125xi32, #tpu.memory_space<vmem>>
        %dma_start3A_184 = arith.constant 0 : i32
        %dma_start3A_185 = arith.constant 0 : i32
        %dma_start3A_186 = tpu.memref_slice %arg27[%dma_start3A_184, %dma_start3A_185] : memref<10112x8xf32, #tpu.memory_space<vmem_shared>> -> memref<10112x8xf32, #tpu.memory_space<vmem_shared>>
        tpu.enqueue_indirect_dma source(%arg26 : memref<125x8xf32, #tpu.memory_space<vmem>>) target(%dma_start3A_186 : memref<10112x8xf32, #tpu.memory_space<vmem_shared>>) offsets(%dma_start3A_183 : memref<125xi32, #tpu.memory_space<vmem>>) semaphore(%arg29 : memref<!tpu.dma_semaphore, #tpu.memory_space<semaphore_mem>>) {add = true}
      } else {
      }
      %add3A_118 = arith.constant 2 : i32
      %add3A_119 = arith.addi %add3A_102, %add3A_118 : i32
      %lt3A_120 = arith.constant 160 : i32
      %lt3A_121 = arith.cmpi slt, %add3A_119, %lt3A_120 : i32
      %convert_element_type3A_122 = arith.extui %lt3A_121 : i1 to i32
      %cond3A_123 = arith.constant 0 : i32
      %cond3A_124 = arith.cmpi ne, %convert_element_type3A_122, %cond3A_123 : i32
      scf.if %cond3A_124 {
        %ge3A = arith.constant 2 : i32
        %ge3A_177 = arith.cmpi sge, %add3A_102, %ge3A : i32
        %convert_element_type3A_178 = arith.extui %ge3A_177 : i1 to i32
        %cond3A_179 = arith.constant 0 : i32
        %cond3A_180 = arith.cmpi ne, %convert_element_type3A_178, %cond3A_179 : i32
        scf.if %cond3A_180 {
          %sub3A = arith.constant 2 : i32
          %sub3A_189 = arith.subi %add3A_102, %sub3A : i32
          %dma_wait3A_190 = arith.constant 0 : i32
          %dma_wait3A_191 = tpu.memref_slice %arg12[%sub3A_189, %dma_wait3A_190] : memref<160x125xi32, #tpu.memory_space<vmem>> -> memref<1x125xi32, #tpu.memory_space<vmem>>
          %dma_wait3A_192 = tpu.memref_squeeze %dma_wait3A_191 : memref<1x125xi32, #tpu.memory_space<vmem>> -> memref<125xi32, #tpu.memory_space<vmem>>
          %dma_wait3A_193 = arith.constant 0 : i32
          %dma_wait3A_194 = arith.constant 0 : i32
          %dma_wait3A_195 = tpu.memref_slice %arg17[%dma_wait3A_193, %dma_wait3A_194] : memref<10112x64xf32, #tpu.memory_space<vmem_shared>> -> memref<10112x64xf32, #tpu.memory_space<vmem_shared>>
          tpu.wait_indirect_dma semaphore(%arg25 : memref<!tpu.dma_semaphore, #tpu.memory_space<semaphore_mem>>) src(%arg16 : memref<125x64xf32, #tpu.memory_space<vmem>>) dst(%dma_wait3A_195 : memref<10112x64xf32, #tpu.memory_space<vmem_shared>>)
        } else {
        }
        %add3A_181 = arith.constant 2 : i32
        %add3A_182 = arith.addi %add3A_102, %add3A_181 : i32
        %dma_start3A_183 = arith.constant 0 : i32
        %dma_start3A_184 = tpu.memref_slice %arg11[%add3A_182, %dma_start3A_183] : memref<160x125xi32, #tpu.memory_space<vmem>> -> memref<1x125xi32, #tpu.memory_space<vmem>>
        %dma_start3A_185 = tpu.memref_squeeze %dma_start3A_184 : memref<1x125xi32, #tpu.memory_space<vmem>> -> memref<125xi32, #tpu.memory_space<vmem>>
        %dma_start3A_186 = arith.constant 0 : i32
        %dma_start3A_187 = arith.constant 0 : i32
        %dma_start3A_188 = tpu.memref_slice %arg2[%dma_start3A_186, %dma_start3A_187] : memref<20000x64xf32, #tpu.memory_space<hbm>> -> memref<20000x64xf32, #tpu.memory_space<hbm>>
        tpu.enqueue_indirect_dma source(%dma_start3A_188 : memref<20000x64xf32, #tpu.memory_space<hbm>>) target(%arg16 : memref<125x64xf32, #tpu.memory_space<vmem>>) offsets(%dma_start3A_185 : memref<125xi32, #tpu.memory_space<vmem>>) semaphore(%arg21 : memref<!tpu.dma_semaphore, #tpu.memory_space<semaphore_mem>>)
      } else {
      }
      %mul3A_125 = arith.constant 4 : i32
      %mul3A_126 = arith.muli %mul3A_125, %scan3A_74 : i32
      %add3A_127 = arith.constant 2 : i32
      %add3A_128 = arith.addi %mul3A_126, %add3A_127 : i32
      %dma_wait3A_129 = arith.constant 0 : i32
      %dma_wait3A_130 = tpu.memref_slice %arg11[%add3A_128, %dma_wait3A_129] : memref<160x125xi32, #tpu.memory_space<vmem>> -> memref<1x125xi32, #tpu.memory_space<vmem>>
      %dma_wait3A_131 = tpu.memref_squeeze %dma_wait3A_130 : memref<1x125xi32, #tpu.memory_space<vmem>> -> memref<125xi32, #tpu.memory_space<vmem>>
      %dma_wait3A_132 = arith.constant 0 : i32
      %dma_wait3A_133 = arith.constant 0 : i32
      %dma_wait3A_134 = tpu.memref_slice %arg2[%dma_wait3A_132, %dma_wait3A_133] : memref<20000x64xf32, #tpu.memory_space<hbm>> -> memref<20000x64xf32, #tpu.memory_space<hbm>>
      tpu.wait_indirect_dma semaphore(%arg20 : memref<!tpu.dma_semaphore, #tpu.memory_space<semaphore_mem>>) src(%dma_wait3A_134 : memref<20000x64xf32, #tpu.memory_space<hbm>>) dst(%arg15 : memref<125x64xf32, #tpu.memory_space<vmem>>)
      %dma_start3A_135 = arith.constant 0 : i32
      %dma_start3A_136 = tpu.memref_slice %arg12[%add3A_128, %dma_start3A_135] : memref<160x125xi32, #tpu.memory_space<vmem>> -> memref<1x125xi32, #tpu.memory_space<vmem>>
      %dma_start3A_137 = tpu.memref_squeeze %dma_start3A_136 : memref<1x125xi32, #tpu.memory_space<vmem>> -> memref<125xi32, #tpu.memory_space<vmem>>
      %dma_start3A_138 = arith.constant 0 : i32
      %dma_start3A_139 = arith.constant 0 : i32
      %dma_start3A_140 = tpu.memref_slice %arg17[%dma_start3A_138, %dma_start3A_139] : memref<10112x64xf32, #tpu.memory_space<vmem_shared>> -> memref<10112x64xf32, #tpu.memory_space<vmem_shared>>
      tpu.enqueue_indirect_dma source(%arg15 : memref<125x64xf32, #tpu.memory_space<vmem>>) target(%dma_start3A_140 : memref<10112x64xf32, #tpu.memory_space<vmem_shared>>) offsets(%dma_start3A_137 : memref<125xi32, #tpu.memory_space<vmem>>) semaphore(%arg24 : memref<!tpu.dma_semaphore, #tpu.memory_space<semaphore_mem>>) {add = true}
      %convert_element_type3A_141 = arith.extui %eq3A_1 : i1 to i32
      %cond3A_142 = arith.constant 0 : i32
      %cond3A_143 = arith.cmpi ne, %convert_element_type3A_141, %cond3A_142 : i32
      scf.if %cond3A_143 {
        %ge3A = arith.constant 4 : i32
        %ge3A_177 = arith.cmpi sge, %add3A_128, %ge3A : i32
        %convert_element_type3A_178 = arith.extui %ge3A_177 : i1 to i32
        %cond3A_179 = arith.constant 0 : i32
        %cond3A_180 = arith.cmpi ne, %convert_element_type3A_178, %cond3A_179 : i32
        scf.if %cond3A_180 {
          %sub3A = arith.constant 4 : i32
          %sub3A_187 = arith.subi %add3A_128, %sub3A : i32
          %dma_wait3A_188 = arith.constant 0 : i32
          %dma_wait3A_189 = tpu.memref_slice %arg12[%sub3A_187, %dma_wait3A_188] : memref<160x125xi32, #tpu.memory_space<vmem>> -> memref<1x125xi32, #tpu.memory_space<vmem>>
          %dma_wait3A_190 = tpu.memref_squeeze %dma_wait3A_189 : memref<1x125xi32, #tpu.memory_space<vmem>> -> memref<125xi32, #tpu.memory_space<vmem>>
          %dma_wait3A_191 = arith.constant 0 : i32
          %dma_wait3A_192 = arith.constant 0 : i32
          %dma_wait3A_193 = tpu.memref_slice %arg27[%dma_wait3A_191, %dma_wait3A_192] : memref<10112x8xf32, #tpu.memory_space<vmem_shared>> -> memref<10112x8xf32, #tpu.memory_space<vmem_shared>>
          tpu.wait_indirect_dma semaphore(%arg30 : memref<!tpu.dma_semaphore, #tpu.memory_space<semaphore_mem>>) src(%arg26 : memref<125x8xf32, #tpu.memory_space<vmem>>) dst(%dma_wait3A_193 : memref<10112x8xf32, #tpu.memory_space<vmem_shared>>)
        } else {
        }
        %dma_start3A_181 = arith.constant 0 : i32
        %dma_start3A_182 = tpu.memref_slice %arg12[%add3A_128, %dma_start3A_181] : memref<160x125xi32, #tpu.memory_space<vmem>> -> memref<1x125xi32, #tpu.memory_space<vmem>>
        %dma_start3A_183 = tpu.memref_squeeze %dma_start3A_182 : memref<1x125xi32, #tpu.memory_space<vmem>> -> memref<125xi32, #tpu.memory_space<vmem>>
        %dma_start3A_184 = arith.constant 0 : i32
        %dma_start3A_185 = arith.constant 0 : i32
        %dma_start3A_186 = tpu.memref_slice %arg27[%dma_start3A_184, %dma_start3A_185] : memref<10112x8xf32, #tpu.memory_space<vmem_shared>> -> memref<10112x8xf32, #tpu.memory_space<vmem_shared>>
        tpu.enqueue_indirect_dma source(%arg26 : memref<125x8xf32, #tpu.memory_space<vmem>>) target(%dma_start3A_186 : memref<10112x8xf32, #tpu.memory_space<vmem_shared>>) offsets(%dma_start3A_183 : memref<125xi32, #tpu.memory_space<vmem>>) semaphore(%arg30 : memref<!tpu.dma_semaphore, #tpu.memory_space<semaphore_mem>>) {add = true}
      } else {
      }
      %add3A_144 = arith.constant 2 : i32
      %add3A_145 = arith.addi %add3A_128, %add3A_144 : i32
      %lt3A_146 = arith.constant 160 : i32
      %lt3A_147 = arith.cmpi slt, %add3A_145, %lt3A_146 : i32
      %convert_element_type3A_148 = arith.extui %lt3A_147 : i1 to i32
      %cond3A_149 = arith.constant 0 : i32
      %cond3A_150 = arith.cmpi ne, %convert_element_type3A_148, %cond3A_149 : i32
      scf.if %cond3A_150 {
        %ge3A = arith.constant 2 : i32
        %ge3A_177 = arith.cmpi sge, %add3A_128, %ge3A : i32
        %convert_element_type3A_178 = arith.extui %ge3A_177 : i1 to i32
        %cond3A_179 = arith.constant 0 : i32
        %cond3A_180 = arith.cmpi ne, %convert_element_type3A_178, %cond3A_179 : i32
        scf.if %cond3A_180 {
          %sub3A = arith.constant 2 : i32
          %sub3A_189 = arith.subi %add3A_128, %sub3A : i32
          %dma_wait3A_190 = arith.constant 0 : i32
          %dma_wait3A_191 = tpu.memref_slice %arg12[%sub3A_189, %dma_wait3A_190] : memref<160x125xi32, #tpu.memory_space<vmem>> -> memref<1x125xi32, #tpu.memory_space<vmem>>
          %dma_wait3A_192 = tpu.memref_squeeze %dma_wait3A_191 : memref<1x125xi32, #tpu.memory_space<vmem>> -> memref<125xi32, #tpu.memory_space<vmem>>
          %dma_wait3A_193 = arith.constant 0 : i32
          %dma_wait3A_194 = arith.constant 0 : i32
          %dma_wait3A_195 = tpu.memref_slice %arg17[%dma_wait3A_193, %dma_wait3A_194] : memref<10112x64xf32, #tpu.memory_space<vmem_shared>> -> memref<10112x64xf32, #tpu.memory_space<vmem_shared>>
          tpu.wait_indirect_dma semaphore(%arg22 : memref<!tpu.dma_semaphore, #tpu.memory_space<semaphore_mem>>) src(%arg13 : memref<125x64xf32, #tpu.memory_space<vmem>>) dst(%dma_wait3A_195 : memref<10112x64xf32, #tpu.memory_space<vmem_shared>>)
        } else {
        }
        %add3A_181 = arith.constant 2 : i32
        %add3A_182 = arith.addi %add3A_128, %add3A_181 : i32
        %dma_start3A_183 = arith.constant 0 : i32
        %dma_start3A_184 = tpu.memref_slice %arg11[%add3A_182, %dma_start3A_183] : memref<160x125xi32, #tpu.memory_space<vmem>> -> memref<1x125xi32, #tpu.memory_space<vmem>>
        %dma_start3A_185 = tpu.memref_squeeze %dma_start3A_184 : memref<1x125xi32, #tpu.memory_space<vmem>> -> memref<125xi32, #tpu.memory_space<vmem>>
        %dma_start3A_186 = arith.constant 0 : i32
        %dma_start3A_187 = arith.constant 0 : i32
        %dma_start3A_188 = tpu.memref_slice %arg2[%dma_start3A_186, %dma_start3A_187] : memref<20000x64xf32, #tpu.memory_space<hbm>> -> memref<20000x64xf32, #tpu.memory_space<hbm>>
        tpu.enqueue_indirect_dma source(%dma_start3A_188 : memref<20000x64xf32, #tpu.memory_space<hbm>>) target(%arg13 : memref<125x64xf32, #tpu.memory_space<vmem>>) offsets(%dma_start3A_185 : memref<125xi32, #tpu.memory_space<vmem>>) semaphore(%arg18 : memref<!tpu.dma_semaphore, #tpu.memory_space<semaphore_mem>>)
      } else {
      }
      %mul3A_151 = arith.constant 4 : i32
      %mul3A_152 = arith.muli %mul3A_151, %scan3A_74 : i32
      %add3A_153 = arith.constant 3 : i32
      %add3A_154 = arith.addi %mul3A_152, %add3A_153 : i32
      %dma_wait3A_155 = arith.constant 0 : i32
      %dma_wait3A_156 = tpu.memref_slice %arg11[%add3A_154, %dma_wait3A_155] : memref<160x125xi32, #tpu.memory_space<vmem>> -> memref<1x125xi32, #tpu.memory_space<vmem>>
      %dma_wait3A_157 = tpu.memref_squeeze %dma_wait3A_156 : memref<1x125xi32, #tpu.memory_space<vmem>> -> memref<125xi32, #tpu.memory_space<vmem>>
      %dma_wait3A_158 = arith.constant 0 : i32
      %dma_wait3A_159 = arith.constant 0 : i32
      %dma_wait3A_160 = tpu.memref_slice %arg2[%dma_wait3A_158, %dma_wait3A_159] : memref<20000x64xf32, #tpu.memory_space<hbm>> -> memref<20000x64xf32, #tpu.memory_space<hbm>>
      tpu.wait_indirect_dma semaphore(%arg21 : memref<!tpu.dma_semaphore, #tpu.memory_space<semaphore_mem>>) src(%dma_wait3A_160 : memref<20000x64xf32, #tpu.memory_space<hbm>>) dst(%arg16 : memref<125x64xf32, #tpu.memory_space<vmem>>)
      %dma_start3A_161 = arith.constant 0 : i32
      %dma_start3A_162 = tpu.memref_slice %arg12[%add3A_154, %dma_start3A_161] : memref<160x125xi32, #tpu.memory_space<vmem>> -> memref<1x125xi32, #tpu.memory_space<vmem>>
      %dma_start3A_163 = tpu.memref_squeeze %dma_start3A_162 : memref<1x125xi32, #tpu.memory_space<vmem>> -> memref<125xi32, #tpu.memory_space<vmem>>
      %dma_start3A_164 = arith.constant 0 : i32
      %dma_start3A_165 = arith.constant 0 : i32
      %dma_start3A_166 = tpu.memref_slice %arg17[%dma_start3A_164, %dma_start3A_165] : memref<10112x64xf32, #tpu.memory_space<vmem_shared>> -> memref<10112x64xf32, #tpu.memory_space<vmem_shared>>
      tpu.enqueue_indirect_dma source(%arg16 : memref<125x64xf32, #tpu.memory_space<vmem>>) target(%dma_start3A_166 : memref<10112x64xf32, #tpu.memory_space<vmem_shared>>) offsets(%dma_start3A_163 : memref<125xi32, #tpu.memory_space<vmem>>) semaphore(%arg25 : memref<!tpu.dma_semaphore, #tpu.memory_space<semaphore_mem>>) {add = true}
      %convert_element_type3A_167 = arith.extui %eq3A_1 : i1 to i32
      %cond3A_168 = arith.constant 0 : i32
      %cond3A_169 = arith.cmpi ne, %convert_element_type3A_167, %cond3A_168 : i32
      scf.if %cond3A_169 {
        %ge3A = arith.constant 4 : i32
        %ge3A_177 = arith.cmpi sge, %add3A_154, %ge3A : i32
        %convert_element_type3A_178 = arith.extui %ge3A_177 : i1 to i32
        %cond3A_179 = arith.constant 0 : i32
        %cond3A_180 = arith.cmpi ne, %convert_element_type3A_178, %cond3A_179 : i32
        scf.if %cond3A_180 {
          %sub3A = arith.constant 4 : i32
          %sub3A_187 = arith.subi %add3A_154, %sub3A : i32
          %dma_wait3A_188 = arith.constant 0 : i32
          %dma_wait3A_189 = tpu.memref_slice %arg12[%sub3A_187, %dma_wait3A_188] : memref<160x125xi32, #tpu.memory_space<vmem>> -> memref<1x125xi32, #tpu.memory_space<vmem>>
          %dma_wait3A_190 = tpu.memref_squeeze %dma_wait3A_189 : memref<1x125xi32, #tpu.memory_space<vmem>> -> memref<125xi32, #tpu.memory_space<vmem>>
          %dma_wait3A_191 = arith.constant 0 : i32
          %dma_wait3A_192 = arith.constant 0 : i32
          %dma_wait3A_193 = tpu.memref_slice %arg27[%dma_wait3A_191, %dma_wait3A_192] : memref<10112x8xf32, #tpu.memory_space<vmem_shared>> -> memref<10112x8xf32, #tpu.memory_space<vmem_shared>>
          tpu.wait_indirect_dma semaphore(%arg31 : memref<!tpu.dma_semaphore, #tpu.memory_space<semaphore_mem>>) src(%arg26 : memref<125x8xf32, #tpu.memory_space<vmem>>) dst(%dma_wait3A_193 : memref<10112x8xf32, #tpu.memory_space<vmem_shared>>)
        } else {
        }
        %dma_start3A_181 = arith.constant 0 : i32
        %dma_start3A_182 = tpu.memref_slice %arg12[%add3A_154, %dma_start3A_181] : memref<160x125xi32, #tpu.memory_space<vmem>> -> memref<1x125xi32, #tpu.memory_space<vmem>>
        %dma_start3A_183 = tpu.memref_squeeze %dma_start3A_182 : memref<1x125xi32, #tpu.memory_space<vmem>> -> memref<125xi32, #tpu.memory_space<vmem>>
        %dma_start3A_184 = arith.constant 0 : i32
        %dma_start3A_185 = arith.constant 0 : i32
        %dma_start3A_186 = tpu.memref_slice %arg27[%dma_start3A_184, %dma_start3A_185] : memref<10112x8xf32, #tpu.memory_space<vmem_shared>> -> memref<10112x8xf32, #tpu.memory_space<vmem_shared>>
        tpu.enqueue_indirect_dma source(%arg26 : memref<125x8xf32, #tpu.memory_space<vmem>>) target(%dma_start3A_186 : memref<10112x8xf32, #tpu.memory_space<vmem_shared>>) offsets(%dma_start3A_183 : memref<125xi32, #tpu.memory_space<vmem>>) semaphore(%arg31 : memref<!tpu.dma_semaphore, #tpu.memory_space<semaphore_mem>>) {add = true}
      } else {
      }
      %add3A_170 = arith.constant 2 : i32
      %add3A_171 = arith.addi %add3A_154, %add3A_170 : i32
      %lt3A_172 = arith.constant 160 : i32
      %lt3A_173 = arith.cmpi slt, %add3A_171, %lt3A_172 : i32
      %convert_element_type3A_174 = arith.extui %lt3A_173 : i1 to i32
      %cond3A_175 = arith.constant 0 : i32
      %cond3A_176 = arith.cmpi ne, %convert_element_type3A_174, %cond3A_175 : i32
      scf.if %cond3A_176 {
        %ge3A = arith.constant 2 : i32
        %ge3A_177 = arith.cmpi sge, %add3A_154, %ge3A : i32
        %convert_element_type3A_178 = arith.extui %ge3A_177 : i1 to i32
        %cond3A_179 = arith.constant 0 : i32
        %cond3A_180 = arith.cmpi ne, %convert_element_type3A_178, %cond3A_179 : i32
        scf.if %cond3A_180 {
          %sub3A = arith.constant 2 : i32
          %sub3A_189 = arith.subi %add3A_154, %sub3A : i32
          %dma_wait3A_190 = arith.constant 0 : i32
          %dma_wait3A_191 = tpu.memref_slice %arg12[%sub3A_189, %dma_wait3A_190] : memref<160x125xi32, #tpu.memory_space<vmem>> -> memref<1x125xi32, #tpu.memory_space<vmem>>
          %dma_wait3A_192 = tpu.memref_squeeze %dma_wait3A_191 : memref<1x125xi32, #tpu.memory_space<vmem>> -> memref<125xi32, #tpu.memory_space<vmem>>
          %dma_wait3A_193 = arith.constant 0 : i32
          %dma_wait3A_194 = arith.constant 0 : i32
          %dma_wait3A_195 = tpu.memref_slice %arg17[%dma_wait3A_193, %dma_wait3A_194] : memref<10112x64xf32, #tpu.memory_space<vmem_shared>> -> memref<10112x64xf32, #tpu.memory_space<vmem_shared>>
          tpu.wait_indirect_dma semaphore(%arg23 : memref<!tpu.dma_semaphore, #tpu.memory_space<semaphore_mem>>) src(%arg14 : memref<125x64xf32, #tpu.memory_space<vmem>>) dst(%dma_wait3A_195 : memref<10112x64xf32, #tpu.memory_space<vmem_shared>>)
        } else {
        }
        %add3A_181 = arith.constant 2 : i32
        %add3A_182 = arith.addi %add3A_154, %add3A_181 : i32
        %dma_start3A_183 = arith.constant 0 : i32
        %dma_start3A_184 = tpu.memref_slice %arg11[%add3A_182, %dma_start3A_183] : memref<160x125xi32, #tpu.memory_space<vmem>> -> memref<1x125xi32, #tpu.memory_space<vmem>>
        %dma_start3A_185 = tpu.memref_squeeze %dma_start3A_184 : memref<1x125xi32, #tpu.memory_space<vmem>> -> memref<125xi32, #tpu.memory_space<vmem>>
        %dma_start3A_186 = arith.constant 0 : i32
        %dma_start3A_187 = arith.constant 0 : i32
        %dma_start3A_188 = tpu.memref_slice %arg2[%dma_start3A_186, %dma_start3A_187] : memref<20000x64xf32, #tpu.memory_space<hbm>> -> memref<20000x64xf32, #tpu.memory_space<hbm>>
        tpu.enqueue_indirect_dma source(%dma_start3A_188 : memref<20000x64xf32, #tpu.memory_space<hbm>>) target(%arg14 : memref<125x64xf32, #tpu.memory_space<vmem>>) offsets(%dma_start3A_185 : memref<125xi32, #tpu.memory_space<vmem>>) semaphore(%arg19 : memref<!tpu.dma_semaphore, #tpu.memory_space<semaphore_mem>>)
      } else {
      }
    }
    %scan3A_28 = arith.constant 40 : i32
    %dma_wait3A = arith.constant 156 : i32
    %dma_wait3A_29 = arith.constant 0 : i32
    %dma_wait3A_30 = tpu.memref_slice %arg12[%dma_wait3A, %dma_wait3A_29] : memref<160x125xi32, #tpu.memory_space<vmem>> -> memref<1x125xi32, #tpu.memory_space<vmem>>
    %dma_wait3A_31 = tpu.memref_squeeze %dma_wait3A_30 : memref<1x125xi32, #tpu.memory_space<vmem>> -> memref<125xi32, #tpu.memory_space<vmem>>
    %dma_wait3A_32 = arith.constant 0 : i32
    %dma_wait3A_33 = arith.constant 0 : i32
    %dma_wait3A_34 = tpu.memref_slice %arg17[%dma_wait3A_32, %dma_wait3A_33] : memref<10112x64xf32, #tpu.memory_space<vmem_shared>> -> memref<10112x64xf32, #tpu.memory_space<vmem_shared>>
    tpu.wait_indirect_dma semaphore(%arg22 : memref<!tpu.dma_semaphore, #tpu.memory_space<semaphore_mem>>) src(%arg13 : memref<125x64xf32, #tpu.memory_space<vmem>>) dst(%dma_wait3A_34 : memref<10112x64xf32, #tpu.memory_space<vmem_shared>>)
    %convert_element_type3A_35 = arith.extui %eq3A_1 : i1 to i32
    %cond3A_36 = arith.constant 0 : i32
    %cond3A_37 = arith.cmpi ne, %convert_element_type3A_35, %cond3A_36 : i32
    scf.if %cond3A_37 {
      %dma_wait3A_74 = arith.constant 156 : i32
      %dma_wait3A_75 = arith.constant 0 : i32
      %dma_wait3A_76 = tpu.memref_slice %arg12[%dma_wait3A_74, %dma_wait3A_75] : memref<160x125xi32, #tpu.memory_space<vmem>> -> memref<1x125xi32, #tpu.memory_space<vmem>>
      %dma_wait3A_77 = tpu.memref_squeeze %dma_wait3A_76 : memref<1x125xi32, #tpu.memory_space<vmem>> -> memref<125xi32, #tpu.memory_space<vmem>>
      %dma_wait3A_78 = arith.constant 0 : i32
      %dma_wait3A_79 = arith.constant 0 : i32
      %dma_wait3A_80 = tpu.memref_slice %arg27[%dma_wait3A_78, %dma_wait3A_79] : memref<10112x8xf32, #tpu.memory_space<vmem_shared>> -> memref<10112x8xf32, #tpu.memory_space<vmem_shared>>
      tpu.wait_indirect_dma semaphore(%arg28 : memref<!tpu.dma_semaphore, #tpu.memory_space<semaphore_mem>>) src(%arg26 : memref<125x8xf32, #tpu.memory_space<vmem>>) dst(%dma_wait3A_80 : memref<10112x8xf32, #tpu.memory_space<vmem_shared>>)
    } else {
    }
    %dma_wait3A_38 = arith.constant 157 : i32
    %dma_wait3A_39 = arith.constant 0 : i32
    %dma_wait3A_40 = tpu.memref_slice %arg12[%dma_wait3A_38, %dma_wait3A_39] : memref<160x125xi32, #tpu.memory_space<vmem>> -> memref<1x125xi32, #tpu.memory_space<vmem>>
    %dma_wait3A_41 = tpu.memref_squeeze %dma_wait3A_40 : memref<1x125xi32, #tpu.memory_space<vmem>> -> memref<125xi32, #tpu.memory_space<vmem>>
    %dma_wait3A_42 = arith.constant 0 : i32
    %dma_wait3A_43 = arith.constant 0 : i32
    %dma_wait3A_44 = tpu.memref_slice %arg17[%dma_wait3A_42, %dma_wait3A_43] : memref<10112x64xf32, #tpu.memory_space<vmem_shared>> -> memref<10112x64xf32, #tpu.memory_space<vmem_shared>>
    tpu.wait_indirect_dma semaphore(%arg23 : memref<!tpu.dma_semaphore, #tpu.memory_space<semaphore_mem>>) src(%arg14 : memref<125x64xf32, #tpu.memory_space<vmem>>) dst(%dma_wait3A_44 : memref<10112x64xf32, #tpu.memory_space<vmem_shared>>)
    %convert_element_type3A_45 = arith.extui %eq3A_1 : i1 to i32
    %cond3A_46 = arith.constant 0 : i32
    %cond3A_47 = arith.cmpi ne, %convert_element_type3A_45, %cond3A_46 : i32
    scf.if %cond3A_47 {
      %dma_wait3A_74 = arith.constant 157 : i32
      %dma_wait3A_75 = arith.constant 0 : i32
      %dma_wait3A_76 = tpu.memref_slice %arg12[%dma_wait3A_74, %dma_wait3A_75] : memref<160x125xi32, #tpu.memory_space<vmem>> -> memref<1x125xi32, #tpu.memory_space<vmem>>
      %dma_wait3A_77 = tpu.memref_squeeze %dma_wait3A_76 : memref<1x125xi32, #tpu.memory_space<vmem>> -> memref<125xi32, #tpu.memory_space<vmem>>
      %dma_wait3A_78 = arith.constant 0 : i32
      %dma_wait3A_79 = arith.constant 0 : i32
      %dma_wait3A_80 = tpu.memref_slice %arg27[%dma_wait3A_78, %dma_wait3A_79] : memref<10112x8xf32, #tpu.memory_space<vmem_shared>> -> memref<10112x8xf32, #tpu.memory_space<vmem_shared>>
      tpu.wait_indirect_dma semaphore(%arg29 : memref<!tpu.dma_semaphore, #tpu.memory_space<semaphore_mem>>) src(%arg26 : memref<125x8xf32, #tpu.memory_space<vmem>>) dst(%dma_wait3A_80 : memref<10112x8xf32, #tpu.memory_space<vmem_shared>>)
    } else {
    }
    %dma_wait3A_48 = arith.constant 158 : i32
    %dma_wait3A_49 = arith.constant 0 : i32
    %dma_wait3A_50 = tpu.memref_slice %arg12[%dma_wait3A_48, %dma_wait3A_49] : memref<160x125xi32, #tpu.memory_space<vmem>> -> memref<1x125xi32, #tpu.memory_space<vmem>>
    %dma_wait3A_51 = tpu.memref_squeeze %dma_wait3A_50 : memref<1x125xi32, #tpu.memory_space<vmem>> -> memref<125xi32, #tpu.memory_space<vmem>>
    %dma_wait3A_52 = arith.constant 0 : i32
    %dma_wait3A_53 = arith.constant 0 : i32
    %dma_wait3A_54 = tpu.memref_slice %arg17[%dma_wait3A_52, %dma_wait3A_53] : memref<10112x64xf32, #tpu.memory_space<vmem_shared>> -> memref<10112x64xf32, #tpu.memory_space<vmem_shared>>
    tpu.wait_indirect_dma semaphore(%arg24 : memref<!tpu.dma_semaphore, #tpu.memory_space<semaphore_mem>>) src(%arg15 : memref<125x64xf32, #tpu.memory_space<vmem>>) dst(%dma_wait3A_54 : memref<10112x64xf32, #tpu.memory_space<vmem_shared>>)
    %convert_element_type3A_55 = arith.extui %eq3A_1 : i1 to i32
    %cond3A_56 = arith.constant 0 : i32
    %cond3A_57 = arith.cmpi ne, %convert_element_type3A_55, %cond3A_56 : i32
    scf.if %cond3A_57 {
      %dma_wait3A_74 = arith.constant 158 : i32
      %dma_wait3A_75 = arith.constant 0 : i32
      %dma_wait3A_76 = tpu.memref_slice %arg12[%dma_wait3A_74, %dma_wait3A_75] : memref<160x125xi32, #tpu.memory_space<vmem>> -> memref<1x125xi32, #tpu.memory_space<vmem>>
      %dma_wait3A_77 = tpu.memref_squeeze %dma_wait3A_76 : memref<1x125xi32, #tpu.memory_space<vmem>> -> memref<125xi32, #tpu.memory_space<vmem>>
      %dma_wait3A_78 = arith.constant 0 : i32
      %dma_wait3A_79 = arith.constant 0 : i32
      %dma_wait3A_80 = tpu.memref_slice %arg27[%dma_wait3A_78, %dma_wait3A_79] : memref<10112x8xf32, #tpu.memory_space<vmem_shared>> -> memref<10112x8xf32, #tpu.memory_space<vmem_shared>>
      tpu.wait_indirect_dma semaphore(%arg30 : memref<!tpu.dma_semaphore, #tpu.memory_space<semaphore_mem>>) src(%arg26 : memref<125x8xf32, #tpu.memory_space<vmem>>) dst(%dma_wait3A_80 : memref<10112x8xf32, #tpu.memory_space<vmem_shared>>)
    } else {
    }
    %dma_wait3A_58 = arith.constant 159 : i32
    %dma_wait3A_59 = arith.constant 0 : i32
    %dma_wait3A_60 = tpu.memref_slice %arg12[%dma_wait3A_58, %dma_wait3A_59] : memref<160x125xi32, #tpu.memory_space<vmem>> -> memref<1x125xi32, #tpu.memory_space<vmem>>
    %dma_wait3A_61 = tpu.memref_squeeze %dma_wait3A_60 : memref<1x125xi32, #tpu.memory_space<vmem>> -> memref<125xi32, #tpu.memory_space<vmem>>
    %dma_wait3A_62 = arith.constant 0 : i32
    %dma_wait3A_63 = arith.constant 0 : i32
    %dma_wait3A_64 = tpu.memref_slice %arg17[%dma_wait3A_62, %dma_wait3A_63] : memref<10112x64xf32, #tpu.memory_space<vmem_shared>> -> memref<10112x64xf32, #tpu.memory_space<vmem_shared>>
    tpu.wait_indirect_dma semaphore(%arg25 : memref<!tpu.dma_semaphore, #tpu.memory_space<semaphore_mem>>) src(%arg16 : memref<125x64xf32, #tpu.memory_space<vmem>>) dst(%dma_wait3A_64 : memref<10112x64xf32, #tpu.memory_space<vmem_shared>>)
    %convert_element_type3A_65 = arith.extui %eq3A_1 : i1 to i32
    %cond3A_66 = arith.constant 0 : i32
    %cond3A_67 = arith.cmpi ne, %convert_element_type3A_65, %cond3A_66 : i32
    scf.if %cond3A_67 {
      %dma_wait3A_74 = arith.constant 159 : i32
      %dma_wait3A_75 = arith.constant 0 : i32
      %dma_wait3A_76 = tpu.memref_slice %arg12[%dma_wait3A_74, %dma_wait3A_75] : memref<160x125xi32, #tpu.memory_space<vmem>> -> memref<1x125xi32, #tpu.memory_space<vmem>>
      %dma_wait3A_77 = tpu.memref_squeeze %dma_wait3A_76 : memref<1x125xi32, #tpu.memory_space<vmem>> -> memref<125xi32, #tpu.memory_space<vmem>>
      %dma_wait3A_78 = arith.constant 0 : i32
      %dma_wait3A_79 = arith.constant 0 : i32
      %dma_wait3A_80 = tpu.memref_slice %arg27[%dma_wait3A_78, %dma_wait3A_79] : memref<10112x8xf32, #tpu.memory_space<vmem_shared>> -> memref<10112x8xf32, #tpu.memory_space<vmem_shared>>
      tpu.wait_indirect_dma semaphore(%arg31 : memref<!tpu.dma_semaphore, #tpu.memory_space<semaphore_mem>>) src(%arg26 : memref<125x8xf32, #tpu.memory_space<vmem>>) dst(%dma_wait3A_80 : memref<10112x8xf32, #tpu.memory_space<vmem_shared>>)
    } else {
    }
    %barrier3A_68 = arith.constant 0 : index
    tpu.barrier barrier_id(%barrier3A_68)
    %mul3A_69 = arith.constant 64 : i32
    %mul3A_70 = arith.muli %arg0, %mul3A_69 : i32
    "tpu.region"() ({
      %run_scoped3A = tpu.sem_alloc : memref<!tpu.dma_semaphore, #tpu.memory_space<semaphore_mem>>
      %dma_start3A_74 = tpu.memref_slice %arg9[%mul3A_0, %mul3A_70] : memref<10112x128xf32, #tpu.memory_space<hbm>> -> memref<632x64xf32, #tpu.memory_space<hbm>>
      %dma_start3A_75 = arith.constant 0 : i32
      %dma_start3A_76 = tpu.memref_slice %arg17[%mul3A_0, %dma_start3A_75] : memref<10112x64xf32, #tpu.memory_space<vmem_shared>> -> memref<632x64xf32, #tpu.memory_space<vmem_shared>>
      tpu.enqueue_dma source(%dma_start3A_76 : memref<632x64xf32, #tpu.memory_space<vmem_shared>>) target(%dma_start3A_74 : memref<632x64xf32, #tpu.memory_space<hbm>>) target_semaphore(%run_scoped3A : memref<!tpu.dma_semaphore, #tpu.memory_space<semaphore_mem>>)
      %dma_wait3A_77 = tpu.memref_slice %arg9[%mul3A_0, %mul3A_70] : memref<10112x128xf32, #tpu.memory_space<hbm>> -> memref<632x64xf32, #tpu.memory_space<hbm>>
      %dma_wait3A_78 = arith.constant 0 : i32
      %dma_wait3A_79 = tpu.memref_slice %arg17[%mul3A_0, %dma_wait3A_78] : memref<10112x64xf32, #tpu.memory_space<vmem_shared>> -> memref<632x64xf32, #tpu.memory_space<vmem_shared>>
      tpu.wait_dma2 semaphore(%run_scoped3A : memref<!tpu.dma_semaphore, #tpu.memory_space<semaphore_mem>>) src(%dma_wait3A_79 : memref<632x64xf32, #tpu.memory_space<vmem_shared>>) dst(%dma_wait3A_77 : memref<632x64xf32, #tpu.memory_space<hbm>>)
      tpu.yield
    }) : () -> ()
    %convert_element_type3A_71 = arith.extui %eq3A_1 : i1 to i32
    %cond3A_72 = arith.constant 0 : i32
    %cond3A_73 = arith.cmpi ne, %convert_element_type3A_71, %cond3A_72 : i32
    scf.if %cond3A_73 {
      "tpu.region"() ({
        %run_scoped3A = tpu.sem_alloc : memref<!tpu.dma_semaphore, #tpu.memory_space<semaphore_mem>>
        %dma_start3A_74 = arith.constant 0 : i32
        %dma_start3A_75 = tpu.memref_slice %arg10[%mul3A_0, %dma_start3A_74] : memref<10112x8xf32, #tpu.memory_space<hbm>> -> memref<632x8xf32, #tpu.memory_space<hbm>>
        %dma_start3A_76 = arith.constant 0 : i32
        %dma_start3A_77 = tpu.memref_slice %arg27[%mul3A_0, %dma_start3A_76] : memref<10112x8xf32, #tpu.memory_space<vmem_shared>> -> memref<632x8xf32, #tpu.memory_space<vmem_shared>>
        tpu.enqueue_dma source(%dma_start3A_77 : memref<632x8xf32, #tpu.memory_space<vmem_shared>>) target(%dma_start3A_75 : memref<632x8xf32, #tpu.memory_space<hbm>>) target_semaphore(%run_scoped3A : memref<!tpu.dma_semaphore, #tpu.memory_space<semaphore_mem>>)
        %dma_wait3A_78 = arith.constant 0 : i32
        %dma_wait3A_79 = tpu.memref_slice %arg10[%mul3A_0, %dma_wait3A_78] : memref<10112x8xf32, #tpu.memory_space<hbm>> -> memref<632x8xf32, #tpu.memory_space<hbm>>
        %dma_wait3A_80 = arith.constant 0 : i32
        %dma_wait3A_81 = tpu.memref_slice %arg27[%mul3A_0, %dma_wait3A_80] : memref<10112x8xf32, #tpu.memory_space<vmem_shared>> -> memref<632x8xf32, #tpu.memory_space<vmem_shared>>
        tpu.wait_dma2 semaphore(%run_scoped3A : memref<!tpu.dma_semaphore, #tpu.memory_space<semaphore_mem>>) src(%dma_wait3A_81 : memref<632x8xf32, #tpu.memory_space<vmem_shared>>) dst(%dma_wait3A_79 : memref<632x8xf32, #tpu.memory_space<hbm>>)
        tpu.yield
      }) : () -> ()
    } else {
    }
    return
  }
}

#map = affine_map<(d0, d1) -> (0, 0)>
#map1 = affine_map<(d0, d1) -> (0, 0, 0)>
module attributes {stable_mosaic.version = 14 : i64} {
  func.func @body(%arg0: i32, %arg1: i32, %arg2: memref<20000x64xf32, #tpu.memory_space<hbm>>, %arg3: memref<16x160x125xi32, #tpu.memory_space<hbm>>, %arg4: memref<16x160x125xi32, #tpu.memory_space<hbm>>, %arg5: memref<16x160x125xi32, #tpu.memory_space<hbm>>, %arg6: memref<632x64xf32, #tpu.memory_space<hbm>>, %arg7: memref<10112x128xf32, #tpu.memory_space<hbm>>, %arg8: memref<160x125xi32, #tpu.memory_space<vmem>>, %arg9: memref<160x125xi32, #tpu.memory_space<vmem>>, %arg10: memref<125x64xf32, #tpu.memory_space<vmem>>, %arg11: memref<125x64xf32, #tpu.memory_space<vmem>>, %arg12: memref<125x64xf32, #tpu.memory_space<vmem>>, %arg13: memref<125x64xf32, #tpu.memory_space<vmem>>, %arg14: memref<10112x64xf32, #tpu.memory_space<vmem_shared>>, %arg15: memref<!tpu.dma_semaphore, #tpu.memory_space<semaphore_mem>>, %arg16: memref<!tpu.dma_semaphore, #tpu.memory_space<semaphore_mem>>, %arg17: memref<!tpu.dma_semaphore, #tpu.memory_space<semaphore_mem>>, %arg18: memref<!tpu.dma_semaphore, #tpu.memory_space<semaphore_mem>>, %arg19: memref<!tpu.dma_semaphore, #tpu.memory_space<semaphore_mem>>, %arg20: memref<!tpu.dma_semaphore, #tpu.memory_space<semaphore_mem>>, %arg21: memref<!tpu.dma_semaphore, #tpu.memory_space<semaphore_mem>>, %arg22: memref<!tpu.dma_semaphore, #tpu.memory_space<semaphore_mem>>) attributes {dimension_semantics = [#tpu.dimension_semantics<core_parallel>, #tpu.dimension_semantics<subcore_parallel>], iteration_bounds = array<i64: 2, 16>, scalar_prefetch = 0 : i64, scratch_operands = 15 : i64, tpu.core_type = #tpu.core_type<sc_vector_subcore>, window_params = [{transform_indices = #map}, {transform_indices = #map1}, {transform_indices = #map1}, {transform_indices = #map1}, {transform_indices = #map}, {transform_indices = #map}]} {
    %mul3A = arith.constant 632 : i32
    %mul3A_0 = arith.muli %arg1, %mul3A : i32
    %eq3A = arith.constant 0 : i32
    %eq3A_1 = arith.cmpi eq, %arg0, %eq3A : i32
    %convert_element_type3A = arith.extui %eq3A_1 : i1 to i32
    %cond3A = arith.constant 0 : i32
    %cond3A_2 = arith.cmpi ne, %convert_element_type3A, %cond3A : i32
    scf.if %cond3A_2 {
      "tpu.region"() ({
        %run_scoped3A = tpu.sem_alloc : memref<!tpu.dma_semaphore, #tpu.memory_space<semaphore_mem>>
        %dma_start3A_56 = arith.constant 0 : i32
        %dma_start3A_57 = arith.constant 0 : i32
        %dma_start3A_58 = tpu.memref_slice %arg3[%arg1, %dma_start3A_56, %dma_start3A_57] : memref<16x160x125xi32, #tpu.memory_space<hbm>> -> memref<1x160x125xi32, #tpu.memory_space<hbm>>
        %dma_start3A_59 = tpu.memref_squeeze %dma_start3A_58 : memref<1x160x125xi32, #tpu.memory_space<hbm>> -> memref<160x125xi32, #tpu.memory_space<hbm>>
        %dma_start3A_60 = arith.constant 0 : i32
        %dma_start3A_61 = arith.constant 0 : i32
        %dma_start3A_62 = tpu.memref_slice %arg3[%arg1, %dma_start3A_60, %dma_start3A_61] : memref<16x160x125xi32, #tpu.memory_space<hbm>> -> memref<1x160x125xi32, #tpu.memory_space<hbm>>
        %dma_start3A_63 = tpu.memref_squeeze %dma_start3A_62 : memref<1x160x125xi32, #tpu.memory_space<hbm>> -> memref<160x125xi32, #tpu.memory_space<hbm>>
        tpu.enqueue_dma source(%dma_start3A_63 : memref<160x125xi32, #tpu.memory_space<hbm>>) target(%arg8 : memref<160x125xi32, #tpu.memory_space<vmem>>) target_semaphore(%run_scoped3A : memref<!tpu.dma_semaphore, #tpu.memory_space<semaphore_mem>>)
        %dma_wait3A_64 = arith.constant 0 : i32
        %dma_wait3A_65 = arith.constant 0 : i32
        %dma_wait3A_66 = tpu.memref_slice %arg3[%arg1, %dma_wait3A_64, %dma_wait3A_65] : memref<16x160x125xi32, #tpu.memory_space<hbm>> -> memref<1x160x125xi32, #tpu.memory_space<hbm>>
        %dma_wait3A_67 = tpu.memref_squeeze %dma_wait3A_66 : memref<1x160x125xi32, #tpu.memory_space<hbm>> -> memref<160x125xi32, #tpu.memory_space<hbm>>
        %dma_wait3A_68 = arith.constant 0 : i32
        %dma_wait3A_69 = arith.constant 0 : i32
        %dma_wait3A_70 = tpu.memref_slice %arg3[%arg1, %dma_wait3A_68, %dma_wait3A_69] : memref<16x160x125xi32, #tpu.memory_space<hbm>> -> memref<1x160x125xi32, #tpu.memory_space<hbm>>
        %dma_wait3A_71 = tpu.memref_squeeze %dma_wait3A_70 : memref<1x160x125xi32, #tpu.memory_space<hbm>> -> memref<160x125xi32, #tpu.memory_space<hbm>>
        tpu.wait_dma2 semaphore(%run_scoped3A : memref<!tpu.dma_semaphore, #tpu.memory_space<semaphore_mem>>) src(%dma_wait3A_71 : memref<160x125xi32, #tpu.memory_space<hbm>>) dst(%arg8 : memref<160x125xi32, #tpu.memory_space<vmem>>)
        tpu.yield
      }) : () -> ()
    } else {
    }
    %eq3A_3 = arith.constant 1 : i32
    %eq3A_4 = arith.cmpi eq, %arg0, %eq3A_3 : i32
    %convert_element_type3A_5 = arith.extui %eq3A_4 : i1 to i32
    %cond3A_6 = arith.constant 0 : i32
    %cond3A_7 = arith.cmpi ne, %convert_element_type3A_5, %cond3A_6 : i32
    scf.if %cond3A_7 {
      "tpu.region"() ({
        %run_scoped3A = tpu.sem_alloc : memref<!tpu.dma_semaphore, #tpu.memory_space<semaphore_mem>>
        %dma_start3A_56 = arith.constant 0 : i32
        %dma_start3A_57 = arith.constant 0 : i32
        %dma_start3A_58 = tpu.memref_slice %arg4[%arg1, %dma_start3A_56, %dma_start3A_57] : memref<16x160x125xi32, #tpu.memory_space<hbm>> -> memref<1x160x125xi32, #tpu.memory_space<hbm>>
        %dma_start3A_59 = tpu.memref_squeeze %dma_start3A_58 : memref<1x160x125xi32, #tpu.memory_space<hbm>> -> memref<160x125xi32, #tpu.memory_space<hbm>>
        %dma_start3A_60 = arith.constant 0 : i32
        %dma_start3A_61 = arith.constant 0 : i32
        %dma_start3A_62 = tpu.memref_slice %arg4[%arg1, %dma_start3A_60, %dma_start3A_61] : memref<16x160x125xi32, #tpu.memory_space<hbm>> -> memref<1x160x125xi32, #tpu.memory_space<hbm>>
        %dma_start3A_63 = tpu.memref_squeeze %dma_start3A_62 : memref<1x160x125xi32, #tpu.memory_space<hbm>> -> memref<160x125xi32, #tpu.memory_space<hbm>>
        tpu.enqueue_dma source(%dma_start3A_63 : memref<160x125xi32, #tpu.memory_space<hbm>>) target(%arg8 : memref<160x125xi32, #tpu.memory_space<vmem>>) target_semaphore(%run_scoped3A : memref<!tpu.dma_semaphore, #tpu.memory_space<semaphore_mem>>)
        %dma_wait3A_64 = arith.constant 0 : i32
        %dma_wait3A_65 = arith.constant 0 : i32
        %dma_wait3A_66 = tpu.memref_slice %arg4[%arg1, %dma_wait3A_64, %dma_wait3A_65] : memref<16x160x125xi32, #tpu.memory_space<hbm>> -> memref<1x160x125xi32, #tpu.memory_space<hbm>>
        %dma_wait3A_67 = tpu.memref_squeeze %dma_wait3A_66 : memref<1x160x125xi32, #tpu.memory_space<hbm>> -> memref<160x125xi32, #tpu.memory_space<hbm>>
        %dma_wait3A_68 = arith.constant 0 : i32
        %dma_wait3A_69 = arith.constant 0 : i32
        %dma_wait3A_70 = tpu.memref_slice %arg4[%arg1, %dma_wait3A_68, %dma_wait3A_69] : memref<16x160x125xi32, #tpu.memory_space<hbm>> -> memref<1x160x125xi32, #tpu.memory_space<hbm>>
        %dma_wait3A_71 = tpu.memref_squeeze %dma_wait3A_70 : memref<1x160x125xi32, #tpu.memory_space<hbm>> -> memref<160x125xi32, #tpu.memory_space<hbm>>
        tpu.wait_dma2 semaphore(%run_scoped3A : memref<!tpu.dma_semaphore, #tpu.memory_space<semaphore_mem>>) src(%dma_wait3A_71 : memref<160x125xi32, #tpu.memory_space<hbm>>) dst(%arg8 : memref<160x125xi32, #tpu.memory_space<vmem>>)
        tpu.yield
      }) : () -> ()
    } else {
    }
    "tpu.region"() ({
      %run_scoped3A = tpu.sem_alloc : memref<!tpu.dma_semaphore, #tpu.memory_space<semaphore_mem>>
      %dma_start3A_56 = arith.constant 0 : i32
      %dma_start3A_57 = arith.constant 0 : i32
      %dma_start3A_58 = tpu.memref_slice %arg5[%arg1, %dma_start3A_56, %dma_start3A_57] : memref<16x160x125xi32, #tpu.memory_space<hbm>> -> memref<1x160x125xi32, #tpu.memory_space<hbm>>
      %dma_start3A_59 = tpu.memref_squeeze %dma_start3A_58 : memref<1x160x125xi32, #tpu.memory_space<hbm>> -> memref<160x125xi32, #tpu.memory_space<hbm>>
      %dma_start3A_60 = arith.constant 0 : i32
      %dma_start3A_61 = arith.constant 0 : i32
      %dma_start3A_62 = tpu.memref_slice %arg5[%arg1, %dma_start3A_60, %dma_start3A_61] : memref<16x160x125xi32, #tpu.memory_space<hbm>> -> memref<1x160x125xi32, #tpu.memory_space<hbm>>
      %dma_start3A_63 = tpu.memref_squeeze %dma_start3A_62 : memref<1x160x125xi32, #tpu.memory_space<hbm>> -> memref<160x125xi32, #tpu.memory_space<hbm>>
      tpu.enqueue_dma source(%dma_start3A_63 : memref<160x125xi32, #tpu.memory_space<hbm>>) target(%arg9 : memref<160x125xi32, #tpu.memory_space<vmem>>) target_semaphore(%run_scoped3A : memref<!tpu.dma_semaphore, #tpu.memory_space<semaphore_mem>>)
      %dma_wait3A_64 = arith.constant 0 : i32
      %dma_wait3A_65 = arith.constant 0 : i32
      %dma_wait3A_66 = tpu.memref_slice %arg5[%arg1, %dma_wait3A_64, %dma_wait3A_65] : memref<16x160x125xi32, #tpu.memory_space<hbm>> -> memref<1x160x125xi32, #tpu.memory_space<hbm>>
      %dma_wait3A_67 = tpu.memref_squeeze %dma_wait3A_66 : memref<1x160x125xi32, #tpu.memory_space<hbm>> -> memref<160x125xi32, #tpu.memory_space<hbm>>
      %dma_wait3A_68 = arith.constant 0 : i32
      %dma_wait3A_69 = arith.constant 0 : i32
      %dma_wait3A_70 = tpu.memref_slice %arg5[%arg1, %dma_wait3A_68, %dma_wait3A_69] : memref<16x160x125xi32, #tpu.memory_space<hbm>> -> memref<1x160x125xi32, #tpu.memory_space<hbm>>
      %dma_wait3A_71 = tpu.memref_squeeze %dma_wait3A_70 : memref<1x160x125xi32, #tpu.memory_space<hbm>> -> memref<160x125xi32, #tpu.memory_space<hbm>>
      tpu.wait_dma2 semaphore(%run_scoped3A : memref<!tpu.dma_semaphore, #tpu.memory_space<semaphore_mem>>) src(%dma_wait3A_71 : memref<160x125xi32, #tpu.memory_space<hbm>>) dst(%arg9 : memref<160x125xi32, #tpu.memory_space<vmem>>)
      tpu.yield
    }) : () -> ()
    "tpu.region"() ({
      %run_scoped3A = tpu.sem_alloc : memref<!tpu.dma_semaphore, #tpu.memory_space<semaphore_mem>>
      %dma_start3A_56 = arith.constant 0 : i32
      %dma_start3A_57 = tpu.memref_slice %arg14[%mul3A_0, %dma_start3A_56] : memref<10112x64xf32, #tpu.memory_space<vmem_shared>> -> memref<632x64xf32, #tpu.memory_space<vmem_shared>>
      tpu.enqueue_dma source(%arg6 : memref<632x64xf32, #tpu.memory_space<hbm>>) target(%dma_start3A_57 : memref<632x64xf32, #tpu.memory_space<vmem_shared>>) target_semaphore(%run_scoped3A : memref<!tpu.dma_semaphore, #tpu.memory_space<semaphore_mem>>)
      %dma_wait3A_58 = arith.constant 0 : i32
      %dma_wait3A_59 = tpu.memref_slice %arg14[%mul3A_0, %dma_wait3A_58] : memref<10112x64xf32, #tpu.memory_space<vmem_shared>> -> memref<632x64xf32, #tpu.memory_space<vmem_shared>>
      tpu.wait_dma2 semaphore(%run_scoped3A : memref<!tpu.dma_semaphore, #tpu.memory_space<semaphore_mem>>) src(%arg6 : memref<632x64xf32, #tpu.memory_space<hbm>>) dst(%dma_wait3A_59 : memref<632x64xf32, #tpu.memory_space<vmem_shared>>)
      tpu.yield
    }) : () -> ()
    %barrier3A = arith.constant 0 : index
    tpu.barrier barrier_id(%barrier3A)
    %dma_start3A = arith.constant 0 : i32
    %dma_start3A_8 = arith.constant 0 : i32
    %dma_start3A_9 = tpu.memref_slice %arg8[%dma_start3A, %dma_start3A_8] : memref<160x125xi32, #tpu.memory_space<vmem>> -> memref<1x125xi32, #tpu.memory_space<vmem>>
    %dma_start3A_10 = tpu.memref_squeeze %dma_start3A_9 : memref<1x125xi32, #tpu.memory_space<vmem>> -> memref<125xi32, #tpu.memory_space<vmem>>
    %dma_start3A_11 = arith.constant 0 : i32
    %dma_start3A_12 = arith.constant 0 : i32
    %dma_start3A_13 = tpu.memref_slice %arg2[%dma_start3A_11, %dma_start3A_12] : memref<20000x64xf32, #tpu.memory_space<hbm>> -> memref<20000x64xf32, #tpu.memory_space<hbm>>
    tpu.enqueue_indirect_dma source(%dma_start3A_13 : memref<20000x64xf32, #tpu.memory_space<hbm>>) target(%arg10 : memref<125x64xf32, #tpu.memory_space<vmem>>) offsets(%dma_start3A_10 : memref<125xi32, #tpu.memory_space<vmem>>) semaphore(%arg15 : memref<!tpu.dma_semaphore, #tpu.memory_space<semaphore_mem>>)
    %dma_start3A_14 = arith.constant 1 : i32
    %dma_start3A_15 = arith.constant 0 : i32
    %dma_start3A_16 = tpu.memref_slice %arg8[%dma_start3A_14, %dma_start3A_15] : memref<160x125xi32, #tpu.memory_space<vmem>> -> memref<1x125xi32, #tpu.memory_space<vmem>>
    %dma_start3A_17 = tpu.memref_squeeze %dma_start3A_16 : memref<1x125xi32, #tpu.memory_space<vmem>> -> memref<125xi32, #tpu.memory_space<vmem>>
    %dma_start3A_18 = arith.constant 0 : i32
    %dma_start3A_19 = arith.constant 0 : i32
    %dma_start3A_20 = tpu.memref_slice %arg2[%dma_start3A_18, %dma_start3A_19] : memref<20000x64xf32, #tpu.memory_space<hbm>> -> memref<20000x64xf32, #tpu.memory_space<hbm>>
    tpu.enqueue_indirect_dma source(%dma_start3A_20 : memref<20000x64xf32, #tpu.memory_space<hbm>>) target(%arg11 : memref<125x64xf32, #tpu.memory_space<vmem>>) offsets(%dma_start3A_17 : memref<125xi32, #tpu.memory_space<vmem>>) semaphore(%arg16 : memref<!tpu.dma_semaphore, #tpu.memory_space<semaphore_mem>>)
    %scan3A = arith.constant 0 : i32
    %scan3A_21 = arith.constant 0 : i32
    %scan3A_22 = arith.constant 40 : i32
    %scan3A_23 = arith.addi %scan3A_21, %scan3A_22 : i32
    %scan3A_24 = arith.constant 1 : i32
    scf.for %scan3A_56 = %scan3A_21 to %scan3A_23 step %scan3A_24  : i32 {
      %mul3A_57 = arith.constant 4 : i32
      %mul3A_58 = arith.muli %mul3A_57, %scan3A_56 : i32
      %add3A = arith.constant 0 : i32
      %add3A_59 = arith.addi %mul3A_58, %add3A : i32
      %dma_wait3A_60 = arith.constant 0 : i32
      %dma_wait3A_61 = tpu.memref_slice %arg8[%add3A_59, %dma_wait3A_60] : memref<160x125xi32, #tpu.memory_space<vmem>> -> memref<1x125xi32, #tpu.memory_space<vmem>>
      %dma_wait3A_62 = tpu.memref_squeeze %dma_wait3A_61 : memref<1x125xi32, #tpu.memory_space<vmem>> -> memref<125xi32, #tpu.memory_space<vmem>>
      %dma_wait3A_63 = arith.constant 0 : i32
      %dma_wait3A_64 = arith.constant 0 : i32
      %dma_wait3A_65 = tpu.memref_slice %arg2[%dma_wait3A_63, %dma_wait3A_64] : memref<20000x64xf32, #tpu.memory_space<hbm>> -> memref<20000x64xf32, #tpu.memory_space<hbm>>
      tpu.wait_indirect_dma semaphore(%arg15 : memref<!tpu.dma_semaphore, #tpu.memory_space<semaphore_mem>>) src(%dma_wait3A_65 : memref<20000x64xf32, #tpu.memory_space<hbm>>) dst(%arg10 : memref<125x64xf32, #tpu.memory_space<vmem>>)
      %dma_start3A_66 = arith.constant 0 : i32
      %dma_start3A_67 = tpu.memref_slice %arg9[%add3A_59, %dma_start3A_66] : memref<160x125xi32, #tpu.memory_space<vmem>> -> memref<1x125xi32, #tpu.memory_space<vmem>>
      %dma_start3A_68 = tpu.memref_squeeze %dma_start3A_67 : memref<1x125xi32, #tpu.memory_space<vmem>> -> memref<125xi32, #tpu.memory_space<vmem>>
      %dma_start3A_69 = arith.constant 0 : i32
      %dma_start3A_70 = arith.constant 0 : i32
      %dma_start3A_71 = tpu.memref_slice %arg14[%dma_start3A_69, %dma_start3A_70] : memref<10112x64xf32, #tpu.memory_space<vmem_shared>> -> memref<10112x64xf32, #tpu.memory_space<vmem_shared>>
      tpu.enqueue_indirect_dma source(%arg10 : memref<125x64xf32, #tpu.memory_space<vmem>>) target(%dma_start3A_71 : memref<10112x64xf32, #tpu.memory_space<vmem_shared>>) offsets(%dma_start3A_68 : memref<125xi32, #tpu.memory_space<vmem>>) semaphore(%arg19 : memref<!tpu.dma_semaphore, #tpu.memory_space<semaphore_mem>>) {add = true}
      %add3A_72 = arith.constant 2 : i32
      %add3A_73 = arith.addi %add3A_59, %add3A_72 : i32
      %lt3A = arith.constant 160 : i32
      %lt3A_74 = arith.cmpi slt, %add3A_73, %lt3A : i32
      %convert_element_type3A_75 = arith.extui %lt3A_74 : i1 to i32
      %cond3A_76 = arith.constant 0 : i32
      %cond3A_77 = arith.cmpi ne, %convert_element_type3A_75, %cond3A_76 : i32
      scf.if %cond3A_77 {
        %ge3A = arith.constant 2 : i32
        %ge3A_147 = arith.cmpi sge, %add3A_59, %ge3A : i32
        %convert_element_type3A_148 = arith.extui %ge3A_147 : i1 to i32
        %cond3A_149 = arith.constant 0 : i32
        %cond3A_150 = arith.cmpi ne, %convert_element_type3A_148, %cond3A_149 : i32
        scf.if %cond3A_150 {
          %sub3A = arith.constant 2 : i32
          %sub3A_159 = arith.subi %add3A_59, %sub3A : i32
          %dma_wait3A_160 = arith.constant 0 : i32
          %dma_wait3A_161 = tpu.memref_slice %arg9[%sub3A_159, %dma_wait3A_160] : memref<160x125xi32, #tpu.memory_space<vmem>> -> memref<1x125xi32, #tpu.memory_space<vmem>>
          %dma_wait3A_162 = tpu.memref_squeeze %dma_wait3A_161 : memref<1x125xi32, #tpu.memory_space<vmem>> -> memref<125xi32, #tpu.memory_space<vmem>>
          %dma_wait3A_163 = arith.constant 0 : i32
          %dma_wait3A_164 = arith.constant 0 : i32
          %dma_wait3A_165 = tpu.memref_slice %arg14[%dma_wait3A_163, %dma_wait3A_164] : memref<10112x64xf32, #tpu.memory_space<vmem_shared>> -> memref<10112x64xf32, #tpu.memory_space<vmem_shared>>
          tpu.wait_indirect_dma semaphore(%arg21 : memref<!tpu.dma_semaphore, #tpu.memory_space<semaphore_mem>>) src(%arg12 : memref<125x64xf32, #tpu.memory_space<vmem>>) dst(%dma_wait3A_165 : memref<10112x64xf32, #tpu.memory_space<vmem_shared>>)
        } else {
        }
        %add3A_151 = arith.constant 2 : i32
        %add3A_152 = arith.addi %add3A_59, %add3A_151 : i32
        %dma_start3A_153 = arith.constant 0 : i32
        %dma_start3A_154 = tpu.memref_slice %arg8[%add3A_152, %dma_start3A_153] : memref<160x125xi32, #tpu.memory_space<vmem>> -> memref<1x125xi32, #tpu.memory_space<vmem>>
        %dma_start3A_155 = tpu.memref_squeeze %dma_start3A_154 : memref<1x125xi32, #tpu.memory_space<vmem>> -> memref<125xi32, #tpu.memory_space<vmem>>
        %dma_start3A_156 = arith.constant 0 : i32
        %dma_start3A_157 = arith.constant 0 : i32
        %dma_start3A_158 = tpu.memref_slice %arg2[%dma_start3A_156, %dma_start3A_157] : memref<20000x64xf32, #tpu.memory_space<hbm>> -> memref<20000x64xf32, #tpu.memory_space<hbm>>
        tpu.enqueue_indirect_dma source(%dma_start3A_158 : memref<20000x64xf32, #tpu.memory_space<hbm>>) target(%arg12 : memref<125x64xf32, #tpu.memory_space<vmem>>) offsets(%dma_start3A_155 : memref<125xi32, #tpu.memory_space<vmem>>) semaphore(%arg17 : memref<!tpu.dma_semaphore, #tpu.memory_space<semaphore_mem>>)
      } else {
      }
      %mul3A_78 = arith.constant 4 : i32
      %mul3A_79 = arith.muli %mul3A_78, %scan3A_56 : i32
      %add3A_80 = arith.constant 1 : i32
      %add3A_81 = arith.addi %mul3A_79, %add3A_80 : i32
      %dma_wait3A_82 = arith.constant 0 : i32
      %dma_wait3A_83 = tpu.memref_slice %arg8[%add3A_81, %dma_wait3A_82] : memref<160x125xi32, #tpu.memory_space<vmem>> -> memref<1x125xi32, #tpu.memory_space<vmem>>
      %dma_wait3A_84 = tpu.memref_squeeze %dma_wait3A_83 : memref<1x125xi32, #tpu.memory_space<vmem>> -> memref<125xi32, #tpu.memory_space<vmem>>
      %dma_wait3A_85 = arith.constant 0 : i32
      %dma_wait3A_86 = arith.constant 0 : i32
      %dma_wait3A_87 = tpu.memref_slice %arg2[%dma_wait3A_85, %dma_wait3A_86] : memref<20000x64xf32, #tpu.memory_space<hbm>> -> memref<20000x64xf32, #tpu.memory_space<hbm>>
      tpu.wait_indirect_dma semaphore(%arg16 : memref<!tpu.dma_semaphore, #tpu.memory_space<semaphore_mem>>) src(%dma_wait3A_87 : memref<20000x64xf32, #tpu.memory_space<hbm>>) dst(%arg11 : memref<125x64xf32, #tpu.memory_space<vmem>>)
      %dma_start3A_88 = arith.constant 0 : i32
      %dma_start3A_89 = tpu.memref_slice %arg9[%add3A_81, %dma_start3A_88] : memref<160x125xi32, #tpu.memory_space<vmem>> -> memref<1x125xi32, #tpu.memory_space<vmem>>
      %dma_start3A_90 = tpu.memref_squeeze %dma_start3A_89 : memref<1x125xi32, #tpu.memory_space<vmem>> -> memref<125xi32, #tpu.memory_space<vmem>>
      %dma_start3A_91 = arith.constant 0 : i32
      %dma_start3A_92 = arith.constant 0 : i32
      %dma_start3A_93 = tpu.memref_slice %arg14[%dma_start3A_91, %dma_start3A_92] : memref<10112x64xf32, #tpu.memory_space<vmem_shared>> -> memref<10112x64xf32, #tpu.memory_space<vmem_shared>>
      tpu.enqueue_indirect_dma source(%arg11 : memref<125x64xf32, #tpu.memory_space<vmem>>) target(%dma_start3A_93 : memref<10112x64xf32, #tpu.memory_space<vmem_shared>>) offsets(%dma_start3A_90 : memref<125xi32, #tpu.memory_space<vmem>>) semaphore(%arg20 : memref<!tpu.dma_semaphore, #tpu.memory_space<semaphore_mem>>) {add = true}
      %add3A_94 = arith.constant 2 : i32
      %add3A_95 = arith.addi %add3A_81, %add3A_94 : i32
      %lt3A_96 = arith.constant 160 : i32
      %lt3A_97 = arith.cmpi slt, %add3A_95, %lt3A_96 : i32
      %convert_element_type3A_98 = arith.extui %lt3A_97 : i1 to i32
      %cond3A_99 = arith.constant 0 : i32
      %cond3A_100 = arith.cmpi ne, %convert_element_type3A_98, %cond3A_99 : i32
      scf.if %cond3A_100 {
        %ge3A = arith.constant 2 : i32
        %ge3A_147 = arith.cmpi sge, %add3A_81, %ge3A : i32
        %convert_element_type3A_148 = arith.extui %ge3A_147 : i1 to i32
        %cond3A_149 = arith.constant 0 : i32
        %cond3A_150 = arith.cmpi ne, %convert_element_type3A_148, %cond3A_149 : i32
        scf.if %cond3A_150 {
          %sub3A = arith.constant 2 : i32
          %sub3A_159 = arith.subi %add3A_81, %sub3A : i32
          %dma_wait3A_160 = arith.constant 0 : i32
          %dma_wait3A_161 = tpu.memref_slice %arg9[%sub3A_159, %dma_wait3A_160] : memref<160x125xi32, #tpu.memory_space<vmem>> -> memref<1x125xi32, #tpu.memory_space<vmem>>
          %dma_wait3A_162 = tpu.memref_squeeze %dma_wait3A_161 : memref<1x125xi32, #tpu.memory_space<vmem>> -> memref<125xi32, #tpu.memory_space<vmem>>
          %dma_wait3A_163 = arith.constant 0 : i32
          %dma_wait3A_164 = arith.constant 0 : i32
          %dma_wait3A_165 = tpu.memref_slice %arg14[%dma_wait3A_163, %dma_wait3A_164] : memref<10112x64xf32, #tpu.memory_space<vmem_shared>> -> memref<10112x64xf32, #tpu.memory_space<vmem_shared>>
          tpu.wait_indirect_dma semaphore(%arg22 : memref<!tpu.dma_semaphore, #tpu.memory_space<semaphore_mem>>) src(%arg13 : memref<125x64xf32, #tpu.memory_space<vmem>>) dst(%dma_wait3A_165 : memref<10112x64xf32, #tpu.memory_space<vmem_shared>>)
        } else {
        }
        %add3A_151 = arith.constant 2 : i32
        %add3A_152 = arith.addi %add3A_81, %add3A_151 : i32
        %dma_start3A_153 = arith.constant 0 : i32
        %dma_start3A_154 = tpu.memref_slice %arg8[%add3A_152, %dma_start3A_153] : memref<160x125xi32, #tpu.memory_space<vmem>> -> memref<1x125xi32, #tpu.memory_space<vmem>>
        %dma_start3A_155 = tpu.memref_squeeze %dma_start3A_154 : memref<1x125xi32, #tpu.memory_space<vmem>> -> memref<125xi32, #tpu.memory_space<vmem>>
        %dma_start3A_156 = arith.constant 0 : i32
        %dma_start3A_157 = arith.constant 0 : i32
        %dma_start3A_158 = tpu.memref_slice %arg2[%dma_start3A_156, %dma_start3A_157] : memref<20000x64xf32, #tpu.memory_space<hbm>> -> memref<20000x64xf32, #tpu.memory_space<hbm>>
        tpu.enqueue_indirect_dma source(%dma_start3A_158 : memref<20000x64xf32, #tpu.memory_space<hbm>>) target(%arg13 : memref<125x64xf32, #tpu.memory_space<vmem>>) offsets(%dma_start3A_155 : memref<125xi32, #tpu.memory_space<vmem>>) semaphore(%arg18 : memref<!tpu.dma_semaphore, #tpu.memory_space<semaphore_mem>>)
      } else {
      }
      %mul3A_101 = arith.constant 4 : i32
      %mul3A_102 = arith.muli %mul3A_101, %scan3A_56 : i32
      %add3A_103 = arith.constant 2 : i32
      %add3A_104 = arith.addi %mul3A_102, %add3A_103 : i32
      %dma_wait3A_105 = arith.constant 0 : i32
      %dma_wait3A_106 = tpu.memref_slice %arg8[%add3A_104, %dma_wait3A_105] : memref<160x125xi32, #tpu.memory_space<vmem>> -> memref<1x125xi32, #tpu.memory_space<vmem>>
      %dma_wait3A_107 = tpu.memref_squeeze %dma_wait3A_106 : memref<1x125xi32, #tpu.memory_space<vmem>> -> memref<125xi32, #tpu.memory_space<vmem>>
      %dma_wait3A_108 = arith.constant 0 : i32
      %dma_wait3A_109 = arith.constant 0 : i32
      %dma_wait3A_110 = tpu.memref_slice %arg2[%dma_wait3A_108, %dma_wait3A_109] : memref<20000x64xf32, #tpu.memory_space<hbm>> -> memref<20000x64xf32, #tpu.memory_space<hbm>>
      tpu.wait_indirect_dma semaphore(%arg17 : memref<!tpu.dma_semaphore, #tpu.memory_space<semaphore_mem>>) src(%dma_wait3A_110 : memref<20000x64xf32, #tpu.memory_space<hbm>>) dst(%arg12 : memref<125x64xf32, #tpu.memory_space<vmem>>)
      %dma_start3A_111 = arith.constant 0 : i32
      %dma_start3A_112 = tpu.memref_slice %arg9[%add3A_104, %dma_start3A_111] : memref<160x125xi32, #tpu.memory_space<vmem>> -> memref<1x125xi32, #tpu.memory_space<vmem>>
      %dma_start3A_113 = tpu.memref_squeeze %dma_start3A_112 : memref<1x125xi32, #tpu.memory_space<vmem>> -> memref<125xi32, #tpu.memory_space<vmem>>
      %dma_start3A_114 = arith.constant 0 : i32
      %dma_start3A_115 = arith.constant 0 : i32
      %dma_start3A_116 = tpu.memref_slice %arg14[%dma_start3A_114, %dma_start3A_115] : memref<10112x64xf32, #tpu.memory_space<vmem_shared>> -> memref<10112x64xf32, #tpu.memory_space<vmem_shared>>
      tpu.enqueue_indirect_dma source(%arg12 : memref<125x64xf32, #tpu.memory_space<vmem>>) target(%dma_start3A_116 : memref<10112x64xf32, #tpu.memory_space<vmem_shared>>) offsets(%dma_start3A_113 : memref<125xi32, #tpu.memory_space<vmem>>) semaphore(%arg21 : memref<!tpu.dma_semaphore, #tpu.memory_space<semaphore_mem>>) {add = true}
      %add3A_117 = arith.constant 2 : i32
      %add3A_118 = arith.addi %add3A_104, %add3A_117 : i32
      %lt3A_119 = arith.constant 160 : i32
      %lt3A_120 = arith.cmpi slt, %add3A_118, %lt3A_119 : i32
      %convert_element_type3A_121 = arith.extui %lt3A_120 : i1 to i32
      %cond3A_122 = arith.constant 0 : i32
      %cond3A_123 = arith.cmpi ne, %convert_element_type3A_121, %cond3A_122 : i32
      scf.if %cond3A_123 {
        %ge3A = arith.constant 2 : i32
        %ge3A_147 = arith.cmpi sge, %add3A_104, %ge3A : i32
        %convert_element_type3A_148 = arith.extui %ge3A_147 : i1 to i32
        %cond3A_149 = arith.constant 0 : i32
        %cond3A_150 = arith.cmpi ne, %convert_element_type3A_148, %cond3A_149 : i32
        scf.if %cond3A_150 {
          %sub3A = arith.constant 2 : i32
          %sub3A_159 = arith.subi %add3A_104, %sub3A : i32
          %dma_wait3A_160 = arith.constant 0 : i32
          %dma_wait3A_161 = tpu.memref_slice %arg9[%sub3A_159, %dma_wait3A_160] : memref<160x125xi32, #tpu.memory_space<vmem>> -> memref<1x125xi32, #tpu.memory_space<vmem>>
          %dma_wait3A_162 = tpu.memref_squeeze %dma_wait3A_161 : memref<1x125xi32, #tpu.memory_space<vmem>> -> memref<125xi32, #tpu.memory_space<vmem>>
          %dma_wait3A_163 = arith.constant 0 : i32
          %dma_wait3A_164 = arith.constant 0 : i32
          %dma_wait3A_165 = tpu.memref_slice %arg14[%dma_wait3A_163, %dma_wait3A_164] : memref<10112x64xf32, #tpu.memory_space<vmem_shared>> -> memref<10112x64xf32, #tpu.memory_space<vmem_shared>>
          tpu.wait_indirect_dma semaphore(%arg19 : memref<!tpu.dma_semaphore, #tpu.memory_space<semaphore_mem>>) src(%arg10 : memref<125x64xf32, #tpu.memory_space<vmem>>) dst(%dma_wait3A_165 : memref<10112x64xf32, #tpu.memory_space<vmem_shared>>)
        } else {
        }
        %add3A_151 = arith.constant 2 : i32
        %add3A_152 = arith.addi %add3A_104, %add3A_151 : i32
        %dma_start3A_153 = arith.constant 0 : i32
        %dma_start3A_154 = tpu.memref_slice %arg8[%add3A_152, %dma_start3A_153] : memref<160x125xi32, #tpu.memory_space<vmem>> -> memref<1x125xi32, #tpu.memory_space<vmem>>
        %dma_start3A_155 = tpu.memref_squeeze %dma_start3A_154 : memref<1x125xi32, #tpu.memory_space<vmem>> -> memref<125xi32, #tpu.memory_space<vmem>>
        %dma_start3A_156 = arith.constant 0 : i32
        %dma_start3A_157 = arith.constant 0 : i32
        %dma_start3A_158 = tpu.memref_slice %arg2[%dma_start3A_156, %dma_start3A_157] : memref<20000x64xf32, #tpu.memory_space<hbm>> -> memref<20000x64xf32, #tpu.memory_space<hbm>>
        tpu.enqueue_indirect_dma source(%dma_start3A_158 : memref<20000x64xf32, #tpu.memory_space<hbm>>) target(%arg10 : memref<125x64xf32, #tpu.memory_space<vmem>>) offsets(%dma_start3A_155 : memref<125xi32, #tpu.memory_space<vmem>>) semaphore(%arg15 : memref<!tpu.dma_semaphore, #tpu.memory_space<semaphore_mem>>)
      } else {
      }
      %mul3A_124 = arith.constant 4 : i32
      %mul3A_125 = arith.muli %mul3A_124, %scan3A_56 : i32
      %add3A_126 = arith.constant 3 : i32
      %add3A_127 = arith.addi %mul3A_125, %add3A_126 : i32
      %dma_wait3A_128 = arith.constant 0 : i32
      %dma_wait3A_129 = tpu.memref_slice %arg8[%add3A_127, %dma_wait3A_128] : memref<160x125xi32, #tpu.memory_space<vmem>> -> memref<1x125xi32, #tpu.memory_space<vmem>>
      %dma_wait3A_130 = tpu.memref_squeeze %dma_wait3A_129 : memref<1x125xi32, #tpu.memory_space<vmem>> -> memref<125xi32, #tpu.memory_space<vmem>>
      %dma_wait3A_131 = arith.constant 0 : i32
      %dma_wait3A_132 = arith.constant 0 : i32
      %dma_wait3A_133 = tpu.memref_slice %arg2[%dma_wait3A_131, %dma_wait3A_132] : memref<20000x64xf32, #tpu.memory_space<hbm>> -> memref<20000x64xf32, #tpu.memory_space<hbm>>
      tpu.wait_indirect_dma semaphore(%arg18 : memref<!tpu.dma_semaphore, #tpu.memory_space<semaphore_mem>>) src(%dma_wait3A_133 : memref<20000x64xf32, #tpu.memory_space<hbm>>) dst(%arg13 : memref<125x64xf32, #tpu.memory_space<vmem>>)
      %dma_start3A_134 = arith.constant 0 : i32
      %dma_start3A_135 = tpu.memref_slice %arg9[%add3A_127, %dma_start3A_134] : memref<160x125xi32, #tpu.memory_space<vmem>> -> memref<1x125xi32, #tpu.memory_space<vmem>>
      %dma_start3A_136 = tpu.memref_squeeze %dma_start3A_135 : memref<1x125xi32, #tpu.memory_space<vmem>> -> memref<125xi32, #tpu.memory_space<vmem>>
      %dma_start3A_137 = arith.constant 0 : i32
      %dma_start3A_138 = arith.constant 0 : i32
      %dma_start3A_139 = tpu.memref_slice %arg14[%dma_start3A_137, %dma_start3A_138] : memref<10112x64xf32, #tpu.memory_space<vmem_shared>> -> memref<10112x64xf32, #tpu.memory_space<vmem_shared>>
      tpu.enqueue_indirect_dma source(%arg13 : memref<125x64xf32, #tpu.memory_space<vmem>>) target(%dma_start3A_139 : memref<10112x64xf32, #tpu.memory_space<vmem_shared>>) offsets(%dma_start3A_136 : memref<125xi32, #tpu.memory_space<vmem>>) semaphore(%arg22 : memref<!tpu.dma_semaphore, #tpu.memory_space<semaphore_mem>>) {add = true}
      %add3A_140 = arith.constant 2 : i32
      %add3A_141 = arith.addi %add3A_127, %add3A_140 : i32
      %lt3A_142 = arith.constant 160 : i32
      %lt3A_143 = arith.cmpi slt, %add3A_141, %lt3A_142 : i32
      %convert_element_type3A_144 = arith.extui %lt3A_143 : i1 to i32
      %cond3A_145 = arith.constant 0 : i32
      %cond3A_146 = arith.cmpi ne, %convert_element_type3A_144, %cond3A_145 : i32
      scf.if %cond3A_146 {
        %ge3A = arith.constant 2 : i32
        %ge3A_147 = arith.cmpi sge, %add3A_127, %ge3A : i32
        %convert_element_type3A_148 = arith.extui %ge3A_147 : i1 to i32
        %cond3A_149 = arith.constant 0 : i32
        %cond3A_150 = arith.cmpi ne, %convert_element_type3A_148, %cond3A_149 : i32
        scf.if %cond3A_150 {
          %sub3A = arith.constant 2 : i32
          %sub3A_159 = arith.subi %add3A_127, %sub3A : i32
          %dma_wait3A_160 = arith.constant 0 : i32
          %dma_wait3A_161 = tpu.memref_slice %arg9[%sub3A_159, %dma_wait3A_160] : memref<160x125xi32, #tpu.memory_space<vmem>> -> memref<1x125xi32, #tpu.memory_space<vmem>>
          %dma_wait3A_162 = tpu.memref_squeeze %dma_wait3A_161 : memref<1x125xi32, #tpu.memory_space<vmem>> -> memref<125xi32, #tpu.memory_space<vmem>>
          %dma_wait3A_163 = arith.constant 0 : i32
          %dma_wait3A_164 = arith.constant 0 : i32
          %dma_wait3A_165 = tpu.memref_slice %arg14[%dma_wait3A_163, %dma_wait3A_164] : memref<10112x64xf32, #tpu.memory_space<vmem_shared>> -> memref<10112x64xf32, #tpu.memory_space<vmem_shared>>
          tpu.wait_indirect_dma semaphore(%arg20 : memref<!tpu.dma_semaphore, #tpu.memory_space<semaphore_mem>>) src(%arg11 : memref<125x64xf32, #tpu.memory_space<vmem>>) dst(%dma_wait3A_165 : memref<10112x64xf32, #tpu.memory_space<vmem_shared>>)
        } else {
        }
        %add3A_151 = arith.constant 2 : i32
        %add3A_152 = arith.addi %add3A_127, %add3A_151 : i32
        %dma_start3A_153 = arith.constant 0 : i32
        %dma_start3A_154 = tpu.memref_slice %arg8[%add3A_152, %dma_start3A_153] : memref<160x125xi32, #tpu.memory_space<vmem>> -> memref<1x125xi32, #tpu.memory_space<vmem>>
        %dma_start3A_155 = tpu.memref_squeeze %dma_start3A_154 : memref<1x125xi32, #tpu.memory_space<vmem>> -> memref<125xi32, #tpu.memory_space<vmem>>
        %dma_start3A_156 = arith.constant 0 : i32
        %dma_start3A_157 = arith.constant 0 : i32
        %dma_start3A_158 = tpu.memref_slice %arg2[%dma_start3A_156, %dma_start3A_157] : memref<20000x64xf32, #tpu.memory_space<hbm>> -> memref<20000x64xf32, #tpu.memory_space<hbm>>
        tpu.enqueue_indirect_dma source(%dma_start3A_158 : memref<20000x64xf32, #tpu.memory_space<hbm>>) target(%arg11 : memref<125x64xf32, #tpu.memory_space<vmem>>) offsets(%dma_start3A_155 : memref<125xi32, #tpu.memory_space<vmem>>) semaphore(%arg16 : memref<!tpu.dma_semaphore, #tpu.memory_space<semaphore_mem>>)
      } else {
      }
    }
    %scan3A_25 = arith.constant 40 : i32
    %dma_wait3A = arith.constant 156 : i32
    %dma_wait3A_26 = arith.constant 0 : i32
    %dma_wait3A_27 = tpu.memref_slice %arg9[%dma_wait3A, %dma_wait3A_26] : memref<160x125xi32, #tpu.memory_space<vmem>> -> memref<1x125xi32, #tpu.memory_space<vmem>>
    %dma_wait3A_28 = tpu.memref_squeeze %dma_wait3A_27 : memref<1x125xi32, #tpu.memory_space<vmem>> -> memref<125xi32, #tpu.memory_space<vmem>>
    %dma_wait3A_29 = arith.constant 0 : i32
    %dma_wait3A_30 = arith.constant 0 : i32
    %dma_wait3A_31 = tpu.memref_slice %arg14[%dma_wait3A_29, %dma_wait3A_30] : memref<10112x64xf32, #tpu.memory_space<vmem_shared>> -> memref<10112x64xf32, #tpu.memory_space<vmem_shared>>
    tpu.wait_indirect_dma semaphore(%arg19 : memref<!tpu.dma_semaphore, #tpu.memory_space<semaphore_mem>>) src(%arg10 : memref<125x64xf32, #tpu.memory_space<vmem>>) dst(%dma_wait3A_31 : memref<10112x64xf32, #tpu.memory_space<vmem_shared>>)
    %dma_wait3A_32 = arith.constant 157 : i32
    %dma_wait3A_33 = arith.constant 0 : i32
    %dma_wait3A_34 = tpu.memref_slice %arg9[%dma_wait3A_32, %dma_wait3A_33] : memref<160x125xi32, #tpu.memory_space<vmem>> -> memref<1x125xi32, #tpu.memory_space<vmem>>
    %dma_wait3A_35 = tpu.memref_squeeze %dma_wait3A_34 : memref<1x125xi32, #tpu.memory_space<vmem>> -> memref<125xi32, #tpu.memory_space<vmem>>
    %dma_wait3A_36 = arith.constant 0 : i32
    %dma_wait3A_37 = arith.constant 0 : i32
    %dma_wait3A_38 = tpu.memref_slice %arg14[%dma_wait3A_36, %dma_wait3A_37] : memref<10112x64xf32, #tpu.memory_space<vmem_shared>> -> memref<10112x64xf32, #tpu.memory_space<vmem_shared>>
    tpu.wait_indirect_dma semaphore(%arg20 : memref<!tpu.dma_semaphore, #tpu.memory_space<semaphore_mem>>) src(%arg11 : memref<125x64xf32, #tpu.memory_space<vmem>>) dst(%dma_wait3A_38 : memref<10112x64xf32, #tpu.memory_space<vmem_shared>>)
    %dma_wait3A_39 = arith.constant 158 : i32
    %dma_wait3A_40 = arith.constant 0 : i32
    %dma_wait3A_41 = tpu.memref_slice %arg9[%dma_wait3A_39, %dma_wait3A_40] : memref<160x125xi32, #tpu.memory_space<vmem>> -> memref<1x125xi32, #tpu.memory_space<vmem>>
    %dma_wait3A_42 = tpu.memref_squeeze %dma_wait3A_41 : memref<1x125xi32, #tpu.memory_space<vmem>> -> memref<125xi32, #tpu.memory_space<vmem>>
    %dma_wait3A_43 = arith.constant 0 : i32
    %dma_wait3A_44 = arith.constant 0 : i32
    %dma_wait3A_45 = tpu.memref_slice %arg14[%dma_wait3A_43, %dma_wait3A_44] : memref<10112x64xf32, #tpu.memory_space<vmem_shared>> -> memref<10112x64xf32, #tpu.memory_space<vmem_shared>>
    tpu.wait_indirect_dma semaphore(%arg21 : memref<!tpu.dma_semaphore, #tpu.memory_space<semaphore_mem>>) src(%arg12 : memref<125x64xf32, #tpu.memory_space<vmem>>) dst(%dma_wait3A_45 : memref<10112x64xf32, #tpu.memory_space<vmem_shared>>)
    %dma_wait3A_46 = arith.constant 159 : i32
    %dma_wait3A_47 = arith.constant 0 : i32
    %dma_wait3A_48 = tpu.memref_slice %arg9[%dma_wait3A_46, %dma_wait3A_47] : memref<160x125xi32, #tpu.memory_space<vmem>> -> memref<1x125xi32, #tpu.memory_space<vmem>>
    %dma_wait3A_49 = tpu.memref_squeeze %dma_wait3A_48 : memref<1x125xi32, #tpu.memory_space<vmem>> -> memref<125xi32, #tpu.memory_space<vmem>>
    %dma_wait3A_50 = arith.constant 0 : i32
    %dma_wait3A_51 = arith.constant 0 : i32
    %dma_wait3A_52 = tpu.memref_slice %arg14[%dma_wait3A_50, %dma_wait3A_51] : memref<10112x64xf32, #tpu.memory_space<vmem_shared>> -> memref<10112x64xf32, #tpu.memory_space<vmem_shared>>
    tpu.wait_indirect_dma semaphore(%arg22 : memref<!tpu.dma_semaphore, #tpu.memory_space<semaphore_mem>>) src(%arg13 : memref<125x64xf32, #tpu.memory_space<vmem>>) dst(%dma_wait3A_52 : memref<10112x64xf32, #tpu.memory_space<vmem_shared>>)
    %barrier3A_53 = arith.constant 0 : index
    tpu.barrier barrier_id(%barrier3A_53)
    %mul3A_54 = arith.constant 64 : i32
    %mul3A_55 = arith.muli %arg0, %mul3A_54 : i32
    "tpu.region"() ({
      %run_scoped3A = tpu.sem_alloc : memref<!tpu.dma_semaphore, #tpu.memory_space<semaphore_mem>>
      %dma_start3A_56 = tpu.memref_slice %arg7[%mul3A_0, %mul3A_55] : memref<10112x128xf32, #tpu.memory_space<hbm>> -> memref<632x64xf32, #tpu.memory_space<hbm>>
      %dma_start3A_57 = arith.constant 0 : i32
      %dma_start3A_58 = tpu.memref_slice %arg14[%mul3A_0, %dma_start3A_57] : memref<10112x64xf32, #tpu.memory_space<vmem_shared>> -> memref<632x64xf32, #tpu.memory_space<vmem_shared>>
      tpu.enqueue_dma source(%dma_start3A_58 : memref<632x64xf32, #tpu.memory_space<vmem_shared>>) target(%dma_start3A_56 : memref<632x64xf32, #tpu.memory_space<hbm>>) target_semaphore(%run_scoped3A : memref<!tpu.dma_semaphore, #tpu.memory_space<semaphore_mem>>)
      %dma_wait3A_59 = tpu.memref_slice %arg7[%mul3A_0, %mul3A_55] : memref<10112x128xf32, #tpu.memory_space<hbm>> -> memref<632x64xf32, #tpu.memory_space<hbm>>
      %dma_wait3A_60 = arith.constant 0 : i32
      %dma_wait3A_61 = tpu.memref_slice %arg14[%mul3A_0, %dma_wait3A_60] : memref<10112x64xf32, #tpu.memory_space<vmem_shared>> -> memref<632x64xf32, #tpu.memory_space<vmem_shared>>
      tpu.wait_dma2 semaphore(%run_scoped3A : memref<!tpu.dma_semaphore, #tpu.memory_space<semaphore_mem>>) src(%dma_wait3A_61 : memref<632x64xf32, #tpu.memory_space<vmem_shared>>) dst(%dma_wait3A_59 : memref<632x64xf32, #tpu.memory_space<hbm>>)
      tpu.yield
    }) : () -> ()
    return
  }
}

module attributes {stable_mosaic.version = 14 : i64} {
  func.func @body(%arg0: i32, %arg1: memref<5000x128xf32, #tpu.memory_space<vmem>>, %arg2: memref<128x128xf32, #tpu.memory_space<vmem>>, %arg3: memref<5000x128xf32, #tpu.memory_space<vmem>>) attributes {dimension_semantics = [#tpu.dimension_semantics<arbitrary>], iteration_bounds = array<i64: 2>, scalar_prefetch = 0 : i64, scratch_operands = 0 : i64, tpu.core_type = #tpu.core_type<tc>, window_params = [{transform_indices = @transform_0, window_bounds = array<i64: 5000, 128>}, {pipeline_mode = #tpu.pipeline_mode<synchronous>, transform_indices = @transform_1, window_bounds = array<i64: 128, 128>}, {transform_indices = @transform_2, window_bounds = array<i64: 5000, 128>}]} {
    %get3A = arith.constant 0 : index
    %get3A_0 = arith.constant 0 : index
    %get3A_1 = vector.load %arg1[%get3A, %get3A_0] : memref<5000x128xf32, #tpu.memory_space<vmem>>, vector<5000x128xf32>
    %get3A_2 = arith.constant 0 : index
    %get3A_3 = arith.constant 0 : index
    %get3A_4 = vector.load %arg2[%get3A_2, %get3A_3] : memref<128x128xf32, #tpu.memory_space<vmem>>, vector<128x128xf32>
    %dot_general3A = arith.constant dense<0.000000e+00> : vector<5000x128xf32>
    %dot_general3A_5 = tpu.matmul %get3A_1, %get3A_4, %dot_general3A {dimension_numbers = #tpu.dot_dimension_numbers<[1], [0], [0], [1], [0, 0, 1, 1], [], []>, transpose_lhs_hint = false} : vector<5000x128xf32>, vector<128x128xf32>, vector<5000x128xf32> -> vector<5000x128xf32>
    %swap3A = arith.constant 0 : index
    %swap3A_6 = arith.constant 0 : index
    %swap3A_7 = vector.load %arg3[%swap3A, %swap3A_6] : memref<5000x128xf32, #tpu.memory_space<vmem>>, vector<5000x128xf32>
    tpu.vector_store %arg3[%swap3A, %swap3A_6], %dot_general3A_5 {strides = array<i32>} : memref<5000x128xf32, #tpu.memory_space<vmem>>, vector<5000x128xf32>,
    return
  }
  func.func @transform_0(%arg0: i32) -> (i32, i32) {
    %c0_i32 = arith.constant 0 : i32
    %c0_i32_0 = arith.constant 0 : i32
    return %arg0, %c0_i32 : i32, i32
  }
  func.func @transform_1(%arg0: i32) -> (i32, i32) {
    %c0_i32 = arith.constant 0 : i32
    %c0_i32_0 = arith.constant 0 : i32
    %c0_i32_1 = arith.constant 0 : i32
    return %c0_i32, %c0_i32_0 : i32, i32
  }
  func.func @transform_2(%arg0: i32) -> (i32, i32) {
    %c0_i32 = arith.constant 0 : i32
    %c0_i32_0 = arith.constant 0 : i32
    return %arg0, %c0_i32 : i32, i32
  }
}

module attributes {stable_mosaic.version = 14 : i64} {
  func.func @body(%arg0: i32, %arg1: memref<5000x128xf32, #tpu.memory_space<vmem>>, %arg2: memref<5000x128xf32, #tpu.memory_space<vmem>>, %arg3: memref<5000x8xf32, #tpu.memory_space<vmem>>, %arg4: memref<1x128xf32, #tpu.memory_space<vmem>>, %arg5: memref<128x128xf32, #tpu.memory_space<vmem>>, %arg6: memref<5000x128xf32, #tpu.memory_space<vmem>>) attributes {dimension_semantics = [#tpu.dimension_semantics<arbitrary>], iteration_bounds = array<i64: 2>, scalar_prefetch = 0 : i64, scratch_operands = 0 : i64, tpu.core_type = #tpu.core_type<tc>, window_params = [{transform_indices = @transform_0, window_bounds = array<i64: 5000, 128>}, {transform_indices = @transform_1, window_bounds = array<i64: 5000, 128>}, {transform_indices = @transform_2, window_bounds = array<i64: 5000, 8>}, {pipeline_mode = #tpu.pipeline_mode<synchronous>, transform_indices = @transform_3, window_bounds = array<i64: 1, 128>}, {pipeline_mode = #tpu.pipeline_mode<synchronous>, transform_indices = @transform_4, window_bounds = array<i64: 128, 128>}, {transform_indices = @transform_5, window_bounds = array<i64: 5000, 128>}]} {
    %get3A = arith.constant 0 : index
    %get3A_0 = arith.constant 0 : index
    %get3A_1 = vector.load %arg3[%get3A, %get3A_0] : memref<5000x8xf32, #tpu.memory_space<vmem>>, vector<5000x8xf32>
    %reduce_sum3A = arith.constant dense<0.000000e+00> : vector<5000xf32>
    %reduce_sum3A_2 = vector.multi_reduction <add>, %get3A_1, %reduce_sum3A [1] : vector<5000x8xf32> to vector<5000xf32>
    %mul3A = arith.constant 1.250000e-01 : f32
    %mul3A_3 = vector.broadcast %mul3A : f32 to vector<5000xf32>
    %mul3A_4 = arith.mulf %reduce_sum3A_2, %mul3A_3 : vector<5000xf32>
    %get3A_5 = arith.constant 0 : index
    %get3A_6 = arith.constant 0 : index
    %get3A_7 = vector.load %arg1[%get3A_5, %get3A_6] : memref<5000x128xf32, #tpu.memory_space<vmem>>, vector<5000x128xf32>
    %get3A_8 = arith.constant 0 : index
    %get3A_9 = arith.constant 0 : index
    %get3A_10 = vector.load %arg2[%get3A_8, %get3A_9] : memref<5000x128xf32, #tpu.memory_space<vmem>>, vector<5000x128xf32>
    %add3A = arith.addf %get3A_7, %get3A_10 : vector<5000x128xf32>
    %add3A_11 = arith.constant 1.000000e+00 : f32
    %add3A_12 = vector.broadcast %add3A_11 : f32 to vector<5000xf32>
    %add3A_13 = arith.addf %mul3A_4, %add3A_12 : vector<5000xf32>
    %broadcast_in_dim3A = vector.shape_cast %add3A_13 : vector<5000xf32> to vector<5000x1xf32>
    %div3A = vector.broadcast %broadcast_in_dim3A : vector<5000x1xf32> to vector<5000x128xf32>
    %div3A_14 = arith.divf %add3A, %div3A : vector<5000x128xf32>
    %get3A_15 = arith.constant 0 : index
    %get3A_16 = arith.constant 0 : index
    %get3A_17 = vector.load %arg4[%get3A_15, %get3A_16] : memref<1x128xf32, #tpu.memory_space<vmem>>, vector<1x128xf32>
    %add3A_18 = vector.broadcast %get3A_17 : vector<1x128xf32> to vector<5000x128xf32>
    %add3A_19 = arith.addf %div3A_14, %add3A_18 : vector<5000x128xf32>
    %max3A = arith.constant 0.000000e+00 : f32
    %max3A_20 = vector.broadcast %max3A : f32 to vector<5000x128xf32>
    %max3A_21 = arith.maximumf %add3A_19, %max3A_20 : vector<5000x128xf32>
    %get3A_22 = arith.constant 0 : index
    %get3A_23 = arith.constant 0 : index
    %get3A_24 = vector.load %arg5[%get3A_22, %get3A_23] : memref<128x128xf32, #tpu.memory_space<vmem>>, vector<128x128xf32>
    %dot_general3A = arith.constant dense<0.000000e+00> : vector<5000x128xf32>
    %dot_general3A_25 = tpu.matmul %max3A_21, %get3A_24, %dot_general3A {dimension_numbers = #tpu.dot_dimension_numbers<[1], [0], [0], [1], [0, 0, 1, 1], [], []>, transpose_lhs_hint = false} : vector<5000x128xf32>, vector<128x128xf32>, vector<5000x128xf32> -> vector<5000x128xf32>
    %swap3A = arith.constant 0 : index
    %swap3A_26 = arith.constant 0 : index
    %swap3A_27 = vector.load %arg6[%swap3A, %swap3A_26] : memref<5000x128xf32, #tpu.memory_space<vmem>>, vector<5000x128xf32>
    tpu.vector_store %arg6[%swap3A, %swap3A_26], %dot_general3A_25 {strides = array<i32>} : memref<5000x128xf32, #tpu.memory_space<vmem>>, vector<5000x128xf32>,
    return
  }
  func.func @transform_0(%arg0: i32) -> (i32, i32) {
    %c0_i32 = arith.constant 0 : i32
    %c0_i32_0 = arith.constant 0 : i32
    return %arg0, %c0_i32 : i32, i32
  }
  func.func @transform_1(%arg0: i32) -> (i32, i32) {
    %c0_i32 = arith.constant 0 : i32
    %c0_i32_0 = arith.constant 0 : i32
    return %arg0, %c0_i32 : i32, i32
  }
  func.func @transform_2(%arg0: i32) -> (i32, i32) {
    %c0_i32 = arith.constant 0 : i32
    %c0_i32_0 = arith.constant 0 : i32
    return %arg0, %c0_i32 : i32, i32
  }
  func.func @transform_3(%arg0: i32) -> (i32, i32) {
    %c0_i32 = arith.constant 0 : i32
    %c0_i32_0 = arith.constant 0 : i32
    %c0_i32_1 = arith.constant 0 : i32
    return %c0_i32, %c0_i32_0 : i32, i32
  }
  func.func @transform_4(%arg0: i32) -> (i32, i32) {
    %c0_i32 = arith.constant 0 : i32
    %c0_i32_0 = arith.constant 0 : i32
    %c0_i32_1 = arith.constant 0 : i32
    return %c0_i32, %c0_i32_0 : i32, i32
  }
  func.func @transform_5(%arg0: i32) -> (i32, i32) {
    %c0_i32 = arith.constant 0 : i32
    %c0_i32_0 = arith.constant 0 : i32
    return %arg0, %c0_i32 : i32, i32
  }
}

module attributes {stable_mosaic.version = 14 : i64} {
  func.func @body(%arg0: i32, %arg1: memref<5000x128xf32, #tpu.memory_space<vmem>>, %arg2: memref<5000x128xf32, #tpu.memory_space<vmem>>, %arg3: memref<5000x8xf32, #tpu.memory_space<vmem>>, %arg4: memref<1x128xf32, #tpu.memory_space<vmem>>, %arg5: memref<5000x128xf32, #tpu.memory_space<vmem>>) attributes {dimension_semantics = [#tpu.dimension_semantics<arbitrary>], iteration_bounds = array<i64: 2>, scalar_prefetch = 0 : i64, scratch_operands = 0 : i64, tpu.core_type = #tpu.core_type<tc>, window_params = [{transform_indices = @transform_0, window_bounds = array<i64: 5000, 128>}, {transform_indices = @transform_1, window_bounds = array<i64: 5000, 128>}, {transform_indices = @transform_2, window_bounds = array<i64: 5000, 8>}, {pipeline_mode = #tpu.pipeline_mode<synchronous>, transform_indices = @transform_3, window_bounds = array<i64: 1, 128>}, {transform_indices = @transform_4, window_bounds = array<i64: 5000, 128>}]} {
    %get3A = arith.constant 0 : index
    %get3A_0 = arith.constant 0 : index
    %get3A_1 = vector.load %arg3[%get3A, %get3A_0] : memref<5000x8xf32, #tpu.memory_space<vmem>>, vector<5000x8xf32>
    %reduce_sum3A = arith.constant dense<0.000000e+00> : vector<5000xf32>
    %reduce_sum3A_2 = vector.multi_reduction <add>, %get3A_1, %reduce_sum3A [1] : vector<5000x8xf32> to vector<5000xf32>
    %mul3A = arith.constant 1.250000e-01 : f32
    %mul3A_3 = vector.broadcast %mul3A : f32 to vector<5000xf32>
    %mul3A_4 = arith.mulf %reduce_sum3A_2, %mul3A_3 : vector<5000xf32>
    %get3A_5 = arith.constant 0 : index
    %get3A_6 = arith.constant 0 : index
    %get3A_7 = vector.load %arg1[%get3A_5, %get3A_6] : memref<5000x128xf32, #tpu.memory_space<vmem>>, vector<5000x128xf32>
    %get3A_8 = arith.constant 0 : index
    %get3A_9 = arith.constant 0 : index
    %get3A_10 = vector.load %arg2[%get3A_8, %get3A_9] : memref<5000x128xf32, #tpu.memory_space<vmem>>, vector<5000x128xf32>
    %add3A = arith.addf %get3A_7, %get3A_10 : vector<5000x128xf32>
    %add3A_11 = arith.constant 1.000000e+00 : f32
    %add3A_12 = vector.broadcast %add3A_11 : f32 to vector<5000xf32>
    %add3A_13 = arith.addf %mul3A_4, %add3A_12 : vector<5000xf32>
    %broadcast_in_dim3A = vector.shape_cast %add3A_13 : vector<5000xf32> to vector<5000x1xf32>
    %div3A = vector.broadcast %broadcast_in_dim3A : vector<5000x1xf32> to vector<5000x128xf32>
    %div3A_14 = arith.divf %add3A, %div3A : vector<5000x128xf32>
    %get3A_15 = arith.constant 0 : index
    %get3A_16 = arith.constant 0 : index
    %get3A_17 = vector.load %arg4[%get3A_15, %get3A_16] : memref<1x128xf32, #tpu.memory_space<vmem>>, vector<1x128xf32>
    %add3A_18 = vector.broadcast %get3A_17 : vector<1x128xf32> to vector<5000x128xf32>
    %add3A_19 = arith.addf %div3A_14, %add3A_18 : vector<5000x128xf32>
    %swap3A = arith.constant 0 : index
    %swap3A_20 = arith.constant 0 : index
    %swap3A_21 = vector.load %arg5[%swap3A, %swap3A_20] : memref<5000x128xf32, #tpu.memory_space<vmem>>, vector<5000x128xf32>
    tpu.vector_store %arg5[%swap3A, %swap3A_20], %add3A_19 {strides = array<i32>} : memref<5000x128xf32, #tpu.memory_space<vmem>>, vector<5000x128xf32>,
    return
  }
  func.func @transform_0(%arg0: i32) -> (i32, i32) {
    %c0_i32 = arith.constant 0 : i32
    %c0_i32_0 = arith.constant 0 : i32
    return %arg0, %c0_i32 : i32, i32
  }
  func.func @transform_1(%arg0: i32) -> (i32, i32) {
    %c0_i32 = arith.constant 0 : i32
    %c0_i32_0 = arith.constant 0 : i32
    return %arg0, %c0_i32 : i32, i32
  }
  func.func @transform_2(%arg0: i32) -> (i32, i32) {
    %c0_i32 = arith.constant 0 : i32
    %c0_i32_0 = arith.constant 0 : i32
    return %arg0, %c0_i32 : i32, i32
  }
  func.func @transform_3(%arg0: i32) -> (i32, i32) {
    %c0_i32 = arith.constant 0 : i32
    %c0_i32_0 = arith.constant 0 : i32
    %c0_i32_1 = arith.constant 0 : i32
    return %c0_i32, %c0_i32_0 : i32, i32
  }
  func.func @transform_4(%arg0: i32) -> (i32, i32) {
    %c0_i32 = arith.constant 0 : i32
    %c0_i32_0 = arith.constant 0 : i32
    return %arg0, %c0_i32 : i32, i32
  }
}

</mosaic_0001>

<sc_bundles>
// kernel: kernel.10.cloned.1.call-start
scs
__scs_entry_jumppad:
0x0: {  	(pc) =	sbr.rel $0x88, $3  }
0x1: {  	(tag) =	ssettag $0x0;
	lr =	simm.s32 $0x1  }
0x2: {  	[smem:$0x3F9B] =	sst lr;
	_ =	strace $0xD0000000  }
0x3: {  	_ = 	snop  }
0x4: {  	_ = 	snop  }
0x5: {  	_ = 	snop  }
0x6: {  	_ = 	snop  }
0x7: {  	_ = 	snop  }
__scs_overlays_trampoline_lowered:
0x8: {  	[smem:$0x3FAA] =	sst s0  }
0x9: {  	[smem:$0x3FAB] =	sst s1  }
0xa: {  	[smem:$0x3FAC] =	sst s2  }
0xb: {  	[smem:$0x3FAD] =	sst s3  }
0xc: {  	[smem:$0x3FAE] =	sst s4  }
0xd: {  	[smem:$0x3FAF] =	sst s5  }
0xe: {  	[smem:$0x3FB0] =	sst s6  }
0xf: {  	[smem:$0x3FB1] =	sst s7  }
0x10: {  	[smem:$0x3FB2] =	sst s8  }
0x11: {  	[smem:$0x3FB3] =	sst s9;
	s0 =	simm.s32 @!p0 $0x0  }
0x12: {  	s1 =	sld [smem:$0x3F99];
	s0 =	simm.s32 @p0 $0x1  }
0x13: {  	[smem:$0x3FB4] =	sst s0;
	s0 =	simm.s32 @!p1 $0x0  }
0x14: {  	s2 =	sld [smem:$0x3F98];
	s0 =	simm.s32 @p1 $0x1  }
0x15: {  	[smem:$0x3FB5] =	sst s0;
	s0 =	simm.s32 @!p2 $0x0  }
0x16: {  	s3 =	sld [smem:$0x3FDB];
	s0 =	simm.s32 @p2 $0x1  }
0x17: {  	s4 =	simm.s32 $0x1BF5;
	[smem:$0x3FB7] =	sst s0  }
0x18: {  	s0 =	sld [smem:$0x3F9A];
	_ =	swait.ge [sflag:s4], $0x0  }
0x19: {  	s7 =	sld [smem:$0x3F9B]  }
0x1a: {  	s8 =	sadd.s32 $0xFFFFE003, lr  }
0x1b: {  	s9 =	sadd.s32 $0xFFFFFEF7, lr;
	s5 =	simm.s32 $0xFFFFFFFF;
	p2 =	slt.u32 s8, $0xFFFFF086  }
0x1c: {  	p1 =	slt.u32 s9, $0xF7A;
	s5 =	simm.s32 @!p2 $0x0  }
0x1d: {  	s5 =	simm.s32 @p1 $0x1;
	p0 =	seq.s32 s7, s2  }
0x1e: {  	s7 =	smul.u32 @!p0 $0xF7A, s2;
	p2 =	seq.s32 @!p0 s5, $0x0  }
0x1f: {  	s9 =	smul.u32 $0xF7A, s1;
	s8 =	simm.s32 @!p0 $0x1BF5;
	p2 =	por !p2, p0  }
0x20: {  	[sflag:s8] =	ssyncset.s32 @!p0 $0xFFFFF086;
	s6 =	sadd.s32 @!p0 s3, s7;
	s7 =	simm.s32 @!p0 $0x108  }
0x21: {  	s3 =	sadd.s32 s3, s9;
	s6 =	sadd.s32 @!p0 $0x88, s6;
	s7 =	simm.s32 @p2 $0x1082  }
0x22: {  	[simem:s7], [sflag:s8] =	dma.local @!p0 [hbm:s6], $0xF7A  }
0x23: {  	s9 =	sor.u32 $0xD0000000, s2;
	s6 =	simm.s32 $0x108;
	_ =	swait.ge @!p0 [sflag:s8], $0x0  }
0x24: {  	s3 =	sadd.s32 $0x88, s3;
	s6 =	simm.s32 @!p1 $0x1082;
	[sflag:s4] =	ssyncset.s32 $0xFFFFF086  }
0x25: {  	[simem:s6], [sflag:s4] =	dma.local [hbm:s3], $0xF7A  }
0x26: {  	[smem:$0x3F9B] =	sst s1;
	(tag) =	ssettag s2;
	_ =	strace s9  }
0x27: {  	s1 =	sld [smem:$0x3FAB]  }
0x28: {  	s2 =	sld [smem:$0x3FAC]  }
0x29: {  	s4 =	sld [smem:$0x3FAE]  }
0x2a: {  	p0 =	seq.s32 s5, $0x0;
	s5 =	sld [smem:$0x3FAF]  }
0x2b: {  	s6 =	sld [smem:$0x3FB0]  }
0x2c: {  	s7 =	sld [smem:$0x3FB1]  }
0x2d: {  	s3 =	simm.s32 $0x108;
	s8 =	sld [smem:$0x3FB2]  }
0x2e: {  	s3 =	simm.s32 @!p0 $0x1082;
	s9 =	sld [smem:$0x3FB3]  }
0x2f: {  	lr =	sadd.s32 s0, s3;
	s0 =	sld [smem:$0x3FAA]  }
0x30: {  	s3 =	sld [smem:$0x3FAD]  }
0x31: {  	[smem:$0x3FB6] =	sst s10  }
0x32: {  	s10 =	sld [smem:$0x3FB4];
	_ =	sdelay $0x3  }
0x33: {  	p0 =	seq.s32 s10, $0x1;
	s10 =	sld [smem:$0x3FB6];
	_ =	sdelay $0x3  }
0x34: {  	[smem:$0x3FB6] =	sst s10  }
0x35: {  	s10 =	sld [smem:$0x3FB5];
	_ =	sdelay $0x3  }
0x36: {  	p1 =	seq.s32 s10, $0x1;
	s10 =	sld [smem:$0x3FB6];
	_ =	sdelay $0x3  }
0x37: {  	[smem:$0x3FB6] =	sst s10  }
0x38: {  	s10 =	sld [smem:$0x3FB7]  }
0x39: {  	_ = 	snop;
	(pc) =	sbr.ind lr, $3  }
0x3a: {  	_ = 	snop  }
0x3b: {  	_ = 	snop  }
0x3c: {  	p2 =	seq.s32 s10, $0x1;
	s10 =	sld [smem:$0x3FB6]  }
0x3d: {  	_ =	shalt  }
0x3e: {  	_ =	shalt  }
0x3f: {  	_ =	shalt  }
0x40: {  	_ =	shalt  }
0x41: {  	_ =	shalt  }
0x42: {  	_ =	shalt  }
0x43: {  	_ =	shalt  }
0x44: {  	_ =	shalt  }
0x45: {  	_ =	shalt  }
0x46: {  	_ =	shalt  }
0x47: {  	_ =	shalt  }
0x48: {  	_ =	shalt  }
0x49: {  	_ =	shalt  }
0x4a: {  	_ =	shalt  }
0x4b: {  	_ =	shalt  }
0x4c: {  	_ =	shalt  }
0x4d: {  	_ =	shalt  }
0x4e: {  	_ =	shalt  }
0x4f: {  	_ =	shalt  }
0x50: {  	_ =	shalt  }
0x51: {  	_ =	shalt  }
0x52: {  	_ =	shalt  }
0x53: {  	_ =	shalt  }
0x54: {  	_ =	shalt  }
0x55: {  	_ =	shalt  }
0x56: {  	_ =	shalt  }
0x57: {  	_ =	shalt  }
0x58: {  	_ =	shalt  }
0x59: {  	_ =	shalt  }
0x5a: {  	_ =	shalt  }
0x5b: {  	_ =	shalt  }
0x5c: {  	_ =	shalt  }
0x5d: {  	_ =	shalt  }
0x5e: {  	_ =	shalt  }
0x5f: {  	_ =	shalt  }
0x60: {  	_ =	shalt  }
0x61: {  	_ =	shalt  }
0x62: {  	_ =	shalt  }
0x63: {  	_ =	shalt  }
0x64: {  	_ =	shalt  }
0x65: {  	_ =	shalt  }
0x66: {  	_ =	shalt  }
0x67: {  	_ =	shalt  }
0x68: {  	_ =	shalt  }
0x69: {  	_ =	shalt  }
0x6a: {  	_ =	shalt  }
0x6b: {  	_ =	shalt  }
0x6c: {  	_ =	shalt  }
0x6d: {  	_ =	shalt  }
0x6e: {  	_ =	shalt  }
0x6f: {  	_ =	shalt  }
0x70: {  	_ =	shalt  }
0x71: {  	_ =	shalt  }
0x72: {  	_ =	shalt  }
0x73: {  	_ =	shalt  }
0x74: {  	_ =	shalt  }
0x75: {  	_ =	shalt  }
0x76: {  	_ =	shalt  }
0x77: {  	_ =	shalt  }
0x78: {  	_ =	shalt  }
0x79: {  	_ =	shalt  }
0x7a: {  	_ =	shalt  }
0x7b: {  	_ =	shalt  }
0x7c: {  	_ =	shalt  }
0x7d: {  	_ =	shalt  }
0x7e: {  	_ =	shalt  }
0x7f: {  	_ =	shalt  }
0x80: {  	_ =	shalt  }
0x81: {  	_ =	shalt  }
0x82: {  	_ =	shalt  }
0x83: {  	_ =	shalt  }
0x84: {  	_ =	shalt  }
0x85: {  	_ =	shalt  }
0x86: {  	_ =	shalt  }
0x87: {  	_ =	shalt  }
.Lfunc_end0:
.L_simem_size_0:
called_computation.1_lowered:
.L_overlay_start_0:
0x88: {  	s2 =	sld [smem:$0x3FD9]  }
0x89: {  	s3 =	sld [smem:$0x3FFE];
	_ =	sdelay $0x1  }
0x8a: {  	s1 =	srdreg.scid  }
0x8b: {  	s0 =	sand.u32 $0x1, s1  }
0x8c: {  	s17 =	sshll.u32 s0, $0xA;
	s2 =	sadd.s32 s3, s2  }
0x8d: {  	s2 =	sadd.s32 s2, s17  }
0x8e: {  	[smem:$0x3FC2] =	sst s2  }
0x8f: {  	_ = 	snop  }
0x90: {  	s2 =	sld [smem:$0x3FD0];
	(tm) =	ssettm $0x1  }
0x91: {  	s18 =	sld [smem:$0x3FFB];
	_ =	sdelay $0x3  }
0x92: {  	_ =	strace s18  }
0x93: {  	s3 =	sld [smem:$0x3FFC];
	_ =	sdelay $0x3  }
0x94: {  	_ =	strace s3  }
0x95: {  	s3 =	sld [smem:$0x3FFD];
	_ =	sdelay $0x3  }
0x96: {  	_ =	strace s3  }
0x97: {  	_ =	strace $0x8FFFFFFF  }
0x98: {  	s19 =	sld [smem:$0x3FDB];
	_ =	sdelay $0x1  }
0x99: {  	s4 =	simm.s32 $_scs_section_size  }
0x9a: {  	s5 =	simm.s32 $_size__tile_overlayer_lowered;
	s6 =	simm.s32 $_tile_overlayer_lowered  }
0x9b: {  	s22 =	simm.s32 $0x1BFF;
	s21 =	sshll.u32 s6, $0x1;
	s3 =	sadd.s32 s4, s19  }
0x9c: {  	s7 =	simm.s32 $0x0;
	s20 =	sshll.u32 s5, $0x1;
	s5 =	sadd.s32 s21, s3  }
0x9d: {  	[timem:s7], [sflag:s22] =	dma.local [hbm:s5], s20  }
0x9e: {  	_ =	swait.ge [sflag:s22], s20  }
0x9f: {  	s4 =	ssub.s32 $0x0, s20;
	[sflag:s22] =	ssyncset.done $0x0  }
0xa0: {  	[sflag:s22] =	ssyncadd.s32 s4;
	_ =	sdelay $0x1  }
0xa1: {  	s23 =	simm.s32 $0x1B8B  }
0xa2: {  	_ =	swait.ge [sflag:s23], $0x1  }
0xa3: {  	[sflag:s23] =	ssyncset.done $0x0  }
0xa4: {  	s25 =	simm.s32 $0x1B8E;
	s24 =	sld [smem:$0x3FFE];
	[sflag:s23] =	ssyncadd.s32 $0xFFFFFFFF  }
0xa5: {  	s26 =	simm.s32 $execute0_lowered;
	[smem:$0x3FD2] =	sst s25  }
0xa6: {  	s5 =	sshll.u32 s26, $0x1;
	_ =	strace $0x80000049;
	[dreg:$0x1] =	wrdreg $0xFFFFFFFF  }
0xa7: {  	s28 =	simm.s32 $_size_execute0_lowered;
	s3 =	sadd.s32 s3, s5;
	[dreg:$0x0] =	wrdreg $0x0  }
0xa8: {  	s5 =	sshll.u32 s28, $0x1;
	[dreg:$0x2] =	wrdreg s3  }
0xa9: {  	[dreg:$0x3] =	wrdreg s5  }
0xaa: {  	[dreg:$0x4] =	wrdreg $0xC0  }
0xab: {  	_ =	task [dreg:s7], $0x5FFFF  }
0xac: {  	[dreg:$0x1] =	wrdreg $0xFFFFFFFF  }
0xad: {  	[dreg:$0x0] =	wrdreg $0x60  }
0xae: {  	[dreg:$0x2] =	wrdreg s2  }
0xaf: {  	[dreg:$0x3] =	wrdreg s24  }
0xb0: {  	[dreg:$0x4] =	wrdreg $0x11D000  }
0xb1: {  	[dreg:$0x5] =	wrdreg $0x9  }
0xb2: {  	_ =	task.clear_ibuf [dreg:s7], $0x6FFFF;
	_ =	strace $0x90000049  }
0xb3: {  	s29 =	simm.s32 $0x9;
	_ =	strace $0x8000004B  }
0xb4: {  	_ =	swait.ge [sflag:s29], $0x1  }
0xb5: {  	[sflag:s29] =	ssyncadd.s32 $0xFFFFFFFF  }
0xb6: {  	_ =	strace $0x9000004B  }
0xb7: {  	_ =	sfence  }
0xb8: {  	s30 =	sld [smem:$0x0];
	_ =	sdelay $0x2  }
0xb9: {  	s31 =	sshll.u32 s1, $0xD;
	s1 =	sshrl.u32 s1, $0x2  }
0xba: {  	s3 =	sand.u32 $0x4000, s31;
	s1 =	sadd.s32 s1, s30  }
0xbb: {  	s0 =	sor.u32 s3, s0;
	s1 =	sshll.u32 s1, $0x11  }
0xbc: {  	s0 =	sor.u32 s1, s0  }
0xbd: {  	s0 =	sadd.s32 $0x8F2B, s0  }
0xbe: {  	[sflag:s0] =	ssyncadd.remote.s32 $0x1  }
0xbf: {  	_ =	sfence.sel $0xFFFF  }
0xc0: {  	[dreg:$0x0] =	wrdreg $0xFFFFFFFF;
	(pc) =	sbr.abs _section_cstart, $3  }
0xc1: {  	[dreg:$0x1] =	wrdreg $0xFFFFFFFF  }
0xc2: {  	_ =	task.clear_ibuf [dreg:s7], $0x2FFFF;
	_ =	strace $0x9FFFFFFF  }
0xc3: {  	(tm) =	ssettm $0x7FFFFFFF  }
tec
execute0_lowered:
.L_overlay_start_1:
0x0: {  	(tag) =	ssettag $0x1  }
0x1: {  	s2 =	rddreg [dreg:$0x0]  }
0x2: {  	s0 =	rddreg [dreg:$0x1]  }
0x3: {  	s3 =	rddreg [dreg:$0x2]  }
0x4: {  	s11 =	stileid.u32;
	s4 =	simm.s32 $0x0;
	s5 =	srdreg.scid  }
0x5: {  	s14 =	simm.s32 $0x7D;
	s15 =	simm.s32 $0xA000;
	s17 =	simm.s32 $0xBF40  }
0x6: {  	s18 =	simm.s32 $0x1;
	s20 =	simm.s32 $0xDE80;
	s21 =	simm.s32 $0x2  }
0x7: {  	s24 =	simm.s32 $0xFDC0;
	s25 =	simm.s32 $0x3;
	s28 =	simm.s32 $0x5  }
0x8: {  	s30 =	simm.s32 $0x4;
	s16 =	simm.s32 $0x7;
	s19 =	simm.s32 $0x8  }
0x9: {  	s22 =	simm.s32 $0x10;
	s23 =	simm.s32 $0x0;
	s1 =	smul.u32 $0xA00, s11  }
0xa: {  	[smem:$0x7FF] =	sst s4;
	s6 =	sand.u32 $0x1, s5;
	s7 =	smul.u32 $0x13C00, s11  }
0xb: {  	s5 =	sadd.s32 $0x20C00, s0;
	s10 =	smul.u32 $0x27800, s11;
	s31 =	sshll.u32 s11, $0x6  }
0xc: {  	s11 =	simm.s32 $0x5000;
	_ =	strace $0x8000004A;
	s8 =	sshll.u32 s6, $0x6  }
0xd: {  	s26 =	ssub.s32 $0x2, s6;
	p0 =	seq.s32 s6, $0x1;
	s12 =	sor.u32 $0x1C09, s31  }
0xe: {  	s1 =	sadd.s32 s1, s0;
	s7 =	sor.u32 s8, s7;
	s9 =	sshrl.u32 s26, $0x1  }
.Ltmp0:
0xf: {  	s29 =	sshrl.u32 s10, $0x2;
	s10 =	simm.s32 $0x9;
	(pc) =	sbr.rel .LBB2_1-.Ltmp0, $4  }
0x10: {  	s7 =	sshrl.u32 s7, $0x3;
	s8 =	ssub.s32 s26, s9;
	s6 =	sadd.s32 $0xC600, s1  }
0x11: {  	s9 =	simm.s32 $0x16600;
	s13 =	sadd.s32 s29, s3;
	s0 =	sadd.s32 s7, s0  }
0x12: {  	s9 =	simm.s32 @!p0 $0x2600;
	s8 =	smax.u32 s8, $0x1;
	s13 =	sshrl.u32 s13, $0x3  }
0x13: {  	s7 =	sadd.s32 $0x22000, s0;
	s9 =	sadd.s32 s9, s1;
	s0 =	simm.s32 $0x6  }
.LBB2_4:
0x14: {  	_ =	swait.ge [sflag:s30], $0x1F40  }
0x15: {  	[sflag:s30] =	ssyncset.done $0x0  }
0x16: {  	[sflag:s30] =	ssyncadd.s32 $0xFFFFE0C0  }
0x17: {  	[spmem:s3] =	stream.indirect.scatter.add.f32 [tilespmem:s24], [sflag:$0x8], $0x40, s31, s14, $0xb8;
	[tilespmem:$0x1BB00] =	vst v63  }
0x18: {  	_ =	swait.ge [sflag:s28], $0x1F40  }
0x19: {  	[sflag:s28] =	ssyncset.done $0x0  }
0x1a: {  	[sflag:s28] =	ssyncadd.s32 $0xFFFFE0C0  }
0x1b: {  	_ =	swait.ge [sflag:s0], $0x1F40  }
0x1c: {  	[sflag:s0] =	ssyncset.done $0x0  }
0x1d: {  	[sflag:s0] =	ssyncadd.s32 $0xFFFFE0C0  }
0x1e: {  	_ =	swait.ge [sflag:s16], $0x1F40  }
0x1f: {  	[sflag:s16] =	ssyncset.done $0x0  }
0x20: {  	[sflag:s16] =	ssyncadd.s32 $0xFFFFE0C0  }
0x21: {  	_ =	swait.ge [sflag:s19], $0x1F40  }
0x22: {  	s23 =	sadd.s32 $0x1, s23;
	[sflag:s19] =	ssyncset.done $0x0  }
0x23: {  	p0 =	sne.s32 s23, s8;
	[sflag:s19] =	ssyncadd.s32 $0xFFFFE0C0  }
.Ltmp1:
0x24: {  	[bflag:$0x0] =	sbarrier.arrive $0xFFFF;
	(pc) =	sbr.rel @!p0 .LBB2_5-.Ltmp1, $4  }
0x25: {  	[hbm:s7@s22], [sflag:s12] =	dma.strided [spmem:s13@s19], $0x13C0, s18, $0x8   }
0x26: {  	_ =	swait.ge [sflag:s10], $0x13C0  }
0x27: {  	[sflag:s10] =	ssyncset.done $0x0  }
0x28: {  	[sflag:s10] =	ssyncadd.s32 $0xFFFFEC40  }
.LBB2_1:
0x29: {  	[tilespmem:s4], [sflag:$0x9] =	stream.linear.gather [hbm4b:s9+s4], $0x5000, $0x38;
	[tilespmem:$0x1BB00] =	vst v63  }
0x2a: {  	_ =	swait.ge [sflag:s10], $0x5000  }
0x2b: {  	[sflag:s10] =	ssyncset.done $0x0  }
0x2c: {  	[sflag:s10] =	ssyncadd.s32 $0xFFFFB000  }
0x2d: {  	[tilespmem:s11], [sflag:$0x9] =	stream.linear.gather [hbm4b:s6+s4], $0x5000, $0x38;
	[tilespmem:$0x1BB00] =	vst v63  }
0x2e: {  	_ =	swait.ge [sflag:s10], $0x5000  }
0x2f: {  	[sflag:s10] =	ssyncset.done $0x0  }
0x30: {  	[sflag:s10] =	ssyncadd.s32 $0xFFFFB000  }
0x31: {  	[spmem:s13], [sflag:s12] =	dma.local [hbm:s5], $0x13C0  }
0x32: {  	_ =	swait.ge [sflag:s10], $0x13C0  }
0x33: {  	[sflag:s10] =	ssyncset.done $0x0  }
0x34: {  	[sflag:s10] =	ssyncadd.s32 $0xFFFFEC40  }
0x35: {  	[bflag:$0x0] =	sbarrier.arrive $0xFFFF  }
0x36: {  	[tilespmem:s15], [sflag:$0x1] =	stream.indirect.gather [hbm4b:s2+s14], $0x40, s4, s14, $0xb8;
	[tilespmem:$0x1BB00] =	vst v63  }
0x37: {  	s1 =	simm.s32 $0x80  }
0x38: {  	[tilespmem:s17], [sflag:$0x2] =	stream.indirect.gather [hbm4b:s2+s14], $0x40, s1, s14, $0xb8;
	[tilespmem:$0x1BB00] =	vst v63  }
0x39: {  	_ =	swait.ge [sflag:s18], $0x1F40  }
0x3a: {  	[sflag:s18] =	ssyncset.done $0x0  }
0x3b: {  	[sflag:s18] =	ssyncadd.s32 $0xFFFFE0C0  }
0x3c: {  	[spmem:s3] =	stream.indirect.scatter.add.f32 [tilespmem:s15], [sflag:$0x5], $0x40, s11, s14, $0xb8;
	[tilespmem:$0x1BB00] =	vst v63  }
0x3d: {  	s31 =	simm.s32 $0x100  }
0x3e: {  	[tilespmem:s20], [sflag:$0x3] =	stream.indirect.gather [hbm4b:s2+s14], $0x40, s31, s14, $0xb8;
	[tilespmem:$0x1BB00] =	vst v63  }
0x3f: {  	_ =	swait.ge [sflag:s21], $0x1F40  }
0x40: {  	[sflag:s21] =	ssyncset.done $0x0  }
0x41: {  	s26 =	simm.s32 $0x5080;
	[sflag:s21] =	ssyncadd.s32 $0xFFFFE0C0  }
0x42: {  	[spmem:s3] =	stream.indirect.scatter.add.f32 [tilespmem:s17], [sflag:$0x6], $0x40, s26, s14, $0xb8;
	[tilespmem:$0x1BB00] =	vst v63  }
0x43: {  	s29 =	simm.s32 $0x180  }
0x44: {  	[tilespmem:s24], [sflag:$0x4] =	stream.indirect.gather [hbm4b:s2+s14], $0x40, s29, s14, $0xb8;
	[tilespmem:$0x1BB00] =	vst v63  }
0x45: {  	_ =	swait.ge [sflag:s25], $0x1F40  }
0x46: {  	[sflag:s25] =	ssyncset.done $0x0  }
0x47: {  	s31 =	simm.s32 $0x5100;
	[sflag:s25] =	ssyncadd.s32 $0xFFFFE0C0  }
0x48: {  	[spmem:s3] =	stream.indirect.scatter.add.f32 [tilespmem:s20], [sflag:$0x7], $0x40, s31, s14, $0xb8;
	[tilespmem:$0x1BB00] =	vst v63  }
0x49: {  	_ =	swait.ge [sflag:s28], $0x1F40  }
0x4a: {  	[sflag:s28] =	ssyncset.done $0x0  }
0x4b: {  	s26 =	simm.s32 $0x200;
	[sflag:s28] =	ssyncadd.s32 $0xFFFFE0C0  }
0x4c: {  	[tilespmem:s15], [sflag:$0x1] =	stream.indirect.gather [hbm4b:s2+s14], $0x40, s26, s14, $0xb8;
	[tilespmem:$0x1BB00] =	vst v63  }
0x4d: {  	_ =	swait.ge [sflag:s30], $0x1F40  }
0x4e: {  	[sflag:s30] =	ssyncset.done $0x0  }
0x4f: {  	s29 =	simm.s32 $0x5180;
	[sflag:s30] =	ssyncadd.s32 $0xFFFFE0C0  }
0x50: {  	[spmem:s3] =	stream.indirect.scatter.add.f32 [tilespmem:s24], [sflag:$0x8], $0x40, s29, s14, $0xb8;
	[tilespmem:$0x1BB00] =	vst v63  }
0x51: {  	_ =	swait.ge [sflag:s0], $0x1F40  }
0x52: {  	[sflag:s0] =	ssyncset.done $0x0  }
0x53: {  	s31 =	simm.s32 $0x280;
	s26 =	simm.s32 $0x0;
	[sflag:s0] =	ssyncadd.s32 $0xFFFFE0C0  }
0x54: {  	[tilespmem:s17], [sflag:$0x2] =	stream.indirect.gather [hbm4b:s2+s14], $0x40, s31, s14, $0xb8;
	[tilespmem:$0x1BB00] =	vst v63  }
.LBB2_2:
0x55: {  	_ =	swait.ge [sflag:s18], $0x1F40  }
0x56: {  	s29 =	sshra.s32 s26, $0x2;
	[sflag:s18] =	ssyncset.done $0x0  }
0x57: {  	s31 =	sadd.s32 $0x5200, s29;
	[sflag:s18] =	ssyncadd.s32 $0xFFFFE0C0  }
0x58: {  	[spmem:s3] =	stream.indirect.scatter.add.f32 [tilespmem:s15], [sflag:$0x5], $0x40, s31, s14, $0xb8;
	[tilespmem:$0x1BB00] =	vst v63  }
0x59: {  	_ =	swait.ge [sflag:s16], $0x1F40  }
0x5a: {  	[sflag:s16] =	ssyncset.done $0x0  }
0x5b: {  	s31 =	sadd.s32 $0x300, s29;
	[sflag:s16] =	ssyncadd.s32 $0xFFFFE0C0  }
0x5c: {  	[tilespmem:s20], [sflag:$0x3] =	stream.indirect.gather [hbm4b:s2+s14], $0x40, s31, s14, $0xb8;
	[tilespmem:$0x1BB00] =	vst v63  }
0x5d: {  	_ =	swait.ge [sflag:s21], $0x1F40  }
0x5e: {  	[sflag:s21] =	ssyncset.done $0x0  }
0x5f: {  	s31 =	sadd.s32 $0x5280, s29;
	[sflag:s21] =	ssyncadd.s32 $0xFFFFE0C0  }
0x60: {  	[spmem:s3] =	stream.indirect.scatter.add.f32 [tilespmem:s17], [sflag:$0x6], $0x40, s31, s14, $0xb8;
	[tilespmem:$0x1BB00] =	vst v63  }
0x61: {  	_ =	swait.ge [sflag:s19], $0x1F40  }
0x62: {  	[sflag:s19] =	ssyncset.done $0x0  }
0x63: {  	p0 =	seq.s32 s26, $0x13000;
	s31 =	sadd.s32 $0x380, s29;
	[sflag:s19] =	ssyncadd.s32 $0xFFFFE0C0  }
0x64: {  	[tilespmem:s24], [sflag:$0x4] =	stream.indirect.gather [hbm4b:s2+s14], $0x40, s31, s14, $0xb8;
	[tilespmem:$0x1BB00] =	vst v63  }
.Ltmp2:
0x65: {  	_ =	swait.ge [sflag:s25], $0x1F40;
	(pc) =	sbr.rel @p0 .LBB2_4-.Ltmp2, $4  }
0x66: {  	[sflag:s25] =	ssyncset.done $0x0  }
0x67: {  	s31 =	sadd.s32 $0x5300, s29;
	[sflag:s25] =	ssyncadd.s32 $0xFFFFE0C0  }
0x68: {  	[spmem:s3] =	stream.indirect.scatter.add.f32 [tilespmem:s20], [sflag:$0x7], $0x40, s31, s14, $0xb8;
	[tilespmem:$0x1BB00] =	vst v63  }
0x69: {  	s31 =	sadd.s32 $0x5380, s29  }
0x6a: {  	_ =	swait.ge [sflag:s28], $0x1F40  }
0x6b: {  	[sflag:s28] =	ssyncset.done $0x0  }
0x6c: {  	s1 =	sadd.s32 $0x400, s29;
	[sflag:s28] =	ssyncadd.s32 $0xFFFFE0C0  }
0x6d: {  	[tilespmem:s15], [sflag:$0x1] =	stream.indirect.gather [hbm4b:s2+s14], $0x40, s1, s14, $0xb8;
	[tilespmem:$0x1BB00] =	vst v63  }
0x6e: {  	_ =	swait.ge [sflag:s30], $0x1F40  }
0x6f: {  	[sflag:s30] =	ssyncset.done $0x0  }
0x70: {  	[sflag:s30] =	ssyncadd.s32 $0xFFFFE0C0  }
0x71: {  	[spmem:s3] =	stream.indirect.scatter.add.f32 [tilespmem:s24], [sflag:$0x8], $0x40, s31, s14, $0xb8;
	[tilespmem:$0x1BB00] =	vst v63  }
.Ltmp3:
0x72: {  	_ = 	snop;
	(pc) =	sbr.rel .LBB2_2-.Ltmp3, $4  }
0x73: {  	_ =	swait.ge [sflag:s0], $0x1F40  }
0x74: {  	[sflag:s0] =	ssyncset.done $0x0  }
0x75: {  	s26 =	sadd.s32 $0x800, s26;
	s31 =	sadd.s32 $0x480, s29;
	[sflag:s0] =	ssyncadd.s32 $0xFFFFE0C0  }
0x76: {  	[tilespmem:s17], [sflag:$0x2] =	stream.indirect.gather [hbm4b:s2+s14], $0x40, s31, s14, $0xb8;
	[tilespmem:$0x1BB00] =	vst v63  }
.LBB2_5:
0x77: {  	_ =	sfence.sel $0x180000  }
0x78: {  	[bflag:$0x0] =	sbarrier.arrive $0xFFFF  }
0x79: {  	_ =	strace $0x9000004A  }
0x7a: {  	s0 =	stileid.u32;
	[bflag:$0x2] =	sbarrier.arrive $0xFFFF  }
0x7b: {  	p0 =	sne.s32 s0, $0x0;
	s0 =	rddreg [dreg:$0x3]  }
0x7c: {  	s0 =	sadd.s32 @!p0 $0x100000, s0  }
0x7d: {  	[sflag:s0] =	ssyncadd.tile.s32 @!p0 $0x1;
	_ =	shalt  }
.Lfunc_end2:
_tile_overlayer_lowered:
.L_overlay_start_2:
0x7e: {  	(tag) =	ssettag $0x2  }
0x7f: {  	s0 =	rddreg [dreg:$0x0];
	s2 =	stileid.u32  }
0x80: {  	s1 =	rddreg [dreg:$0x1];
	p0 =	sne.s32 s2, $0x0  }
0x81: {  	s3 =	rddreg [dreg:$0x2];
	[bflag:$0x3] =	sbarrier.arrive $0xFFFF;
	s2 =	simm.s32 @!p0 $0x1C09  }
0x82: {  	[timem:s3], [sflag:s2] =	dma.local @!p0 [hbm:s0], s1  }
0x83: {  	s0 =	simm.s32 @!p0 $0x9  }
0x84: {  	_ =	swait.ge @!p0 [sflag:s0], s1  }
0x85: {  	s1 =	ssub.s32 @!p0 $0x0, s1;
	[sflag:s0] =	ssyncset.done @!p0 $0x0  }
0x86: {  	[sflag:s0] =	ssyncadd.s32 @!p0 s1  }
0x87: {  	[bflag:$0x3] =	sbarrier.arrive $0xFFFF  }
0x88: {  	_ =	shalt  }

// kernel: kernel.7.cloned.1.call-start
scs
__scs_entry_jumppad:
0x0: {  	(pc) =	sbr.rel $0x88, $3  }
0x1: {  	(tag) =	ssettag $0x0;
	lr =	simm.s32 $0x1  }
0x2: {  	[smem:$0x3F9B] =	sst lr;
	_ =	strace $0xD0000000  }
0x3: {  	_ = 	snop  }
0x4: {  	_ = 	snop  }
0x5: {  	_ = 	snop  }
0x6: {  	_ = 	snop  }
0x7: {  	_ = 	snop  }
__scs_overlays_trampoline_lowered:
0x8: {  	[smem:$0x3FAA] =	sst s0  }
0x9: {  	[smem:$0x3FAB] =	sst s1  }
0xa: {  	[smem:$0x3FAC] =	sst s2  }
0xb: {  	[smem:$0x3FAD] =	sst s3  }
0xc: {  	[smem:$0x3FAE] =	sst s4  }
0xd: {  	[smem:$0x3FAF] =	sst s5  }
0xe: {  	[smem:$0x3FB0] =	sst s6  }
0xf: {  	[smem:$0x3FB1] =	sst s7  }
0x10: {  	[smem:$0x3FB2] =	sst s8  }
0x11: {  	[smem:$0x3FB3] =	sst s9;
	s0 =	simm.s32 @!p0 $0x0  }
0x12: {  	s1 =	sld [smem:$0x3F99];
	s0 =	simm.s32 @p0 $0x1  }
0x13: {  	[smem:$0x3FB4] =	sst s0;
	s0 =	simm.s32 @!p1 $0x0  }
0x14: {  	s2 =	sld [smem:$0x3F98];
	s0 =	simm.s32 @p1 $0x1  }
0x15: {  	[smem:$0x3FB5] =	sst s0;
	s0 =	simm.s32 @!p2 $0x0  }
0x16: {  	s3 =	sld [smem:$0x3FDB];
	s0 =	simm.s32 @p2 $0x1  }
0x17: {  	s4 =	simm.s32 $0x1BF5;
	[smem:$0x3FB7] =	sst s0  }
0x18: {  	s0 =	sld [smem:$0x3F9A];
	_ =	swait.ge [sflag:s4], $0x0  }
0x19: {  	s7 =	sld [smem:$0x3F9B]  }
0x1a: {  	s8 =	sadd.s32 $0xFFFFE003, lr  }
0x1b: {  	s9 =	sadd.s32 $0xFFFFFEF7, lr;
	s5 =	simm.s32 $0xFFFFFFFF;
	p2 =	slt.u32 s8, $0xFFFFF086  }
0x1c: {  	p1 =	slt.u32 s9, $0xF7A;
	s5 =	simm.s32 @!p2 $0x0  }
0x1d: {  	s5 =	simm.s32 @p1 $0x1;
	p0 =	seq.s32 s7, s2  }
0x1e: {  	s7 =	smul.u32 @!p0 $0xF7A, s2;
	p2 =	seq.s32 @!p0 s5, $0x0  }
0x1f: {  	s9 =	smul.u32 $0xF7A, s1;
	s8 =	simm.s32 @!p0 $0x1BF5;
	p2 =	por !p2, p0  }
0x20: {  	[sflag:s8] =	ssyncset.s32 @!p0 $0xFFFFF086;
	s6 =	sadd.s32 @!p0 s3, s7;
	s7 =	simm.s32 @!p0 $0x108  }
0x21: {  	s3 =	sadd.s32 s3, s9;
	s6 =	sadd.s32 @!p0 $0x88, s6;
	s7 =	simm.s32 @p2 $0x1082  }
0x22: {  	[simem:s7], [sflag:s8] =	dma.local @!p0 [hbm:s6], $0xF7A  }
0x23: {  	s9 =	sor.u32 $0xD0000000, s2;
	s6 =	simm.s32 $0x108;
	_ =	swait.ge @!p0 [sflag:s8], $0x0  }
0x24: {  	s3 =	sadd.s32 $0x88, s3;
	s6 =	simm.s32 @!p1 $0x1082;
	[sflag:s4] =	ssyncset.s32 $0xFFFFF086  }
0x25: {  	[simem:s6], [sflag:s4] =	dma.local [hbm:s3], $0xF7A  }
0x26: {  	[smem:$0x3F9B] =	sst s1;
	(tag) =	ssettag s2;
	_ =	strace s9  }
0x27: {  	s1 =	sld [smem:$0x3FAB]  }
0x28: {  	s2 =	sld [smem:$0x3FAC]  }
0x29: {  	s4 =	sld [smem:$0x3FAE]  }
0x2a: {  	p0 =	seq.s32 s5, $0x0;
	s5 =	sld [smem:$0x3FAF]  }
0x2b: {  	s6 =	sld [smem:$0x3FB0]  }
0x2c: {  	s7 =	sld [smem:$0x3FB1]  }
0x2d: {  	s3 =	simm.s32 $0x108;
	s8 =	sld [smem:$0x3FB2]  }
0x2e: {  	s3 =	simm.s32 @!p0 $0x1082;
	s9 =	sld [smem:$0x3FB3]  }
0x2f: {  	lr =	sadd.s32 s0, s3;
	s0 =	sld [smem:$0x3FAA]  }
0x30: {  	s3 =	sld [smem:$0x3FAD]  }
0x31: {  	[smem:$0x3FB6] =	sst s10  }
0x32: {  	s10 =	sld [smem:$0x3FB4];
	_ =	sdelay $0x3  }
0x33: {  	p0 =	seq.s32 s10, $0x1;
	s10 =	sld [smem:$0x3FB6];
	_ =	sdelay $0x3  }
0x34: {  	[smem:$0x3FB6] =	sst s10  }
0x35: {  	s10 =	sld [smem:$0x3FB5];
	_ =	sdelay $0x3  }
0x36: {  	p1 =	seq.s32 s10, $0x1;
	s10 =	sld [smem:$0x3FB6];
	_ =	sdelay $0x3  }
0x37: {  	[smem:$0x3FB6] =	sst s10  }
0x38: {  	s10 =	sld [smem:$0x3FB7]  }
0x39: {  	_ = 	snop;
	(pc) =	sbr.ind lr, $3  }
0x3a: {  	_ = 	snop  }
0x3b: {  	_ = 	snop  }
0x3c: {  	p2 =	seq.s32 s10, $0x1;
	s10 =	sld [smem:$0x3FB6]  }
0x3d: {  	_ =	shalt  }
0x3e: {  	_ =	shalt  }
0x3f: {  	_ =	shalt  }
0x40: {  	_ =	shalt  }
0x41: {  	_ =	shalt  }
0x42: {  	_ =	shalt  }
0x43: {  	_ =	shalt  }
0x44: {  	_ =	shalt  }
0x45: {  	_ =	shalt  }
0x46: {  	_ =	shalt  }
0x47: {  	_ =	shalt  }
0x48: {  	_ =	shalt  }
0x49: {  	_ =	shalt  }
0x4a: {  	_ =	shalt  }
0x4b: {  	_ =	shalt  }
0x4c: {  	_ =	shalt  }
0x4d: {  	_ =	shalt  }
0x4e: {  	_ =	shalt  }
0x4f: {  	_ =	shalt  }
0x50: {  	_ =	shalt  }
0x51: {  	_ =	shalt  }
0x52: {  	_ =	shalt  }
0x53: {  	_ =	shalt  }
0x54: {  	_ =	shalt  }
0x55: {  	_ =	shalt  }
0x56: {  	_ =	shalt  }
0x57: {  	_ =	shalt  }
0x58: {  	_ =	shalt  }
0x59: {  	_ =	shalt  }
0x5a: {  	_ =	shalt  }
0x5b: {  	_ =	shalt  }
0x5c: {  	_ =	shalt  }
0x5d: {  	_ =	shalt  }
0x5e: {  	_ =	shalt  }
0x5f: {  	_ =	shalt  }
0x60: {  	_ =	shalt  }
0x61: {  	_ =	shalt  }
0x62: {  	_ =	shalt  }
0x63: {  	_ =	shalt  }
0x64: {  	_ =	shalt  }
0x65: {  	_ =	shalt  }
0x66: {  	_ =	shalt  }
0x67: {  	_ =	shalt  }
0x68: {  	_ =	shalt  }
0x69: {  	_ =	shalt  }
0x6a: {  	_ =	shalt  }
0x6b: {  	_ =	shalt  }
0x6c: {  	_ =	shalt  }
0x6d: {  	_ =	shalt  }
0x6e: {  	_ =	shalt  }
0x6f: {  	_ =	shalt  }
0x70: {  	_ =	shalt  }
0x71: {  	_ =	shalt  }
0x72: {  	_ =	shalt  }
0x73: {  	_ =	shalt  }
0x74: {  	_ =	shalt  }
0x75: {  	_ =	shalt  }
0x76: {  	_ =	shalt  }
0x77: {  	_ =	shalt  }
0x78: {  	_ =	shalt  }
0x79: {  	_ =	shalt  }
0x7a: {  	_ =	shalt  }
0x7b: {  	_ =	shalt  }
0x7c: {  	_ =	shalt  }
0x7d: {  	_ =	shalt  }
0x7e: {  	_ =	shalt  }
0x7f: {  	_ =	shalt  }
0x80: {  	_ =	shalt  }
0x81: {  	_ =	shalt  }
0x82: {  	_ =	shalt  }
0x83: {  	_ =	shalt  }
0x84: {  	_ =	shalt  }
0x85: {  	_ =	shalt  }
0x86: {  	_ =	shalt  }
0x87: {  	_ =	shalt  }
.Lfunc_end0:
.L_simem_size_0:
called_computation_lowered:
.L_overlay_start_0:
0x88: {  	s2 =	sld [smem:$0x3FD9]  }
0x89: {  	s3 =	sld [smem:$0x3FFE];
	_ =	sdelay $0x1  }
0x8a: {  	s1 =	srdreg.scid  }
0x8b: {  	s0 =	sand.u32 $0x1, s1  }
0x8c: {  	s17 =	sshll.u32 s0, $0xA;
	s2 =	sadd.s32 s3, s2  }
0x8d: {  	s2 =	sadd.s32 s2, s17  }
0x8e: {  	[smem:$0x3FC2] =	sst s2  }
0x8f: {  	_ = 	snop  }
0x90: {  	s2 =	sld [smem:$0x3FD0];
	(tm) =	ssettm $0x1  }
0x91: {  	s18 =	sld [smem:$0x3FFB];
	_ =	sdelay $0x3  }
0x92: {  	_ =	strace s18  }
0x93: {  	s3 =	sld [smem:$0x3FFC];
	_ =	sdelay $0x3  }
0x94: {  	_ =	strace s3  }
0x95: {  	s3 =	sld [smem:$0x3FFD];
	_ =	sdelay $0x3  }
0x96: {  	_ =	strace s3  }
0x97: {  	_ =	strace $0x8FFFFFFF  }
0x98: {  	s19 =	sld [smem:$0x3FDB];
	_ =	sdelay $0x1  }
0x99: {  	s4 =	simm.s32 $_scs_section_size  }
0x9a: {  	s5 =	simm.s32 $_size__tile_overlayer_lowered;
	s6 =	simm.s32 $_tile_overlayer_lowered  }
0x9b: {  	s22 =	simm.s32 $0x1BFF;
	s21 =	sshll.u32 s6, $0x1;
	s3 =	sadd.s32 s4, s19  }
0x9c: {  	s7 =	simm.s32 $0x0;
	s20 =	sshll.u32 s5, $0x1;
	s5 =	sadd.s32 s21, s3  }
0x9d: {  	[timem:s7], [sflag:s22] =	dma.local [hbm:s5], s20  }
0x9e: {  	_ =	swait.ge [sflag:s22], s20  }
0x9f: {  	s4 =	ssub.s32 $0x0, s20;
	[sflag:s22] =	ssyncset.done $0x0  }
0xa0: {  	[sflag:s22] =	ssyncadd.s32 s4;
	_ =	sdelay $0x1  }
0xa1: {  	s23 =	simm.s32 $0x1B8B  }
0xa2: {  	_ =	swait.ge [sflag:s23], $0x1  }
0xa3: {  	[sflag:s23] =	ssyncset.done $0x0  }
0xa4: {  	s25 =	simm.s32 $0x1B8E;
	s24 =	sld [smem:$0x3FFE];
	[sflag:s23] =	ssyncadd.s32 $0xFFFFFFFF  }
0xa5: {  	s26 =	simm.s32 $execute0_lowered;
	[smem:$0x3FD2] =	sst s25  }
0xa6: {  	s5 =	sshll.u32 s26, $0x1;
	_ =	strace $0x80000046;
	[dreg:$0x1] =	wrdreg $0xFFFFFFFF  }
0xa7: {  	s28 =	simm.s32 $_size_execute0_lowered;
	s3 =	sadd.s32 s3, s5;
	[dreg:$0x0] =	wrdreg $0x0  }
0xa8: {  	s5 =	sshll.u32 s28, $0x1;
	[dreg:$0x2] =	wrdreg s3  }
0xa9: {  	[dreg:$0x3] =	wrdreg s5  }
0xaa: {  	[dreg:$0x4] =	wrdreg $0xC0  }
0xab: {  	_ =	task [dreg:s7], $0x5FFFF  }
0xac: {  	[dreg:$0x1] =	wrdreg $0xFFFFFFFF  }
0xad: {  	[dreg:$0x0] =	wrdreg $0x60  }
0xae: {  	[dreg:$0x2] =	wrdreg s2  }
0xaf: {  	[dreg:$0x3] =	wrdreg s24  }
0xb0: {  	[dreg:$0x4] =	wrdreg $0x11D000  }
0xb1: {  	[dreg:$0x5] =	wrdreg $0x1BEE80  }
0xb2: {  	[dreg:$0x6] =	wrdreg $0x9  }
0xb3: {  	_ =	task.clear_ibuf [dreg:s7], $0x7FFFF;
	_ =	strace $0x90000046  }
0xb4: {  	s29 =	simm.s32 $0x9;
	_ =	strace $0x80000048  }
0xb5: {  	_ =	swait.ge [sflag:s29], $0x1  }
0xb6: {  	[sflag:s29] =	ssyncadd.s32 $0xFFFFFFFF  }
0xb7: {  	_ =	strace $0x90000048  }
0xb8: {  	_ =	sfence  }
0xb9: {  	s30 =	sld [smem:$0x0];
	_ =	sdelay $0x2  }
0xba: {  	s31 =	sshll.u32 s1, $0xD;
	s1 =	sshrl.u32 s1, $0x2  }
0xbb: {  	s3 =	sand.u32 $0x4000, s31;
	s1 =	sadd.s32 s1, s30  }
0xbc: {  	s0 =	sor.u32 s3, s0;
	s1 =	sshll.u32 s1, $0x11  }
0xbd: {  	s0 =	sor.u32 s1, s0  }
0xbe: {  	s0 =	sadd.s32 $0x8F2B, s0  }
0xbf: {  	[sflag:s0] =	ssyncadd.remote.s32 $0x1  }
0xc0: {  	_ =	sfence.sel $0xFFFF  }
0xc1: {  	[dreg:$0x0] =	wrdreg $0xFFFFFFFF;
	(pc) =	sbr.abs _section_cstart, $3  }
0xc2: {  	[dreg:$0x1] =	wrdreg $0xFFFFFFFF  }
0xc3: {  	_ =	task.clear_ibuf [dreg:s7], $0x2FFFF;
	_ =	strace $0x9FFFFFFF  }
0xc4: {  	(tm) =	ssettm $0x7FFFFFFF  }
0xc5: {  	_ =	shalt  }
tec
execute0_lowered:
.L_overlay_start_1:
0x0: {  	(tag) =	ssettag $0x1  }
0x1: {  	s1 =	rddreg [dreg:$0x0]  }
0x2: {  	s0 =	rddreg [dreg:$0x1]  }
0x3: {  	s3 =	rddreg [dreg:$0x2]  }
0x4: {  	s4 =	rddreg [dreg:$0x3];
	s5 =	simm.s32 $0x0  }
0x5: {  	s14 =	stileid.u32;
	s6 =	srdreg.scid;
	s28 =	simm.s32 $0xFDC0  }
0x6: {  	s29 =	simm.s32 $0x3;
	s30 =	simm.s32 $0x4;
	s31 =	simm.s32 $0x1BB00  }
0x7: {  	s15 =	simm.s32 $0x7;
	[smem:$0x7FF] =	sst s5;
	s2 =	smul.u32 $0xA00, s14  }
0x8: {  	s6 =	sand.u32 $0x1, s6;
	s7 =	smul.u32 $0x13C00, s14;
	s8 =	sadd.s32 $0x20C00, s0  }
0x9: {  	s19 =	sadd.s32 $0x20800, s0;
	s9 =	sadd.s32 $0x20600, s0;
	s21 =	smul.u32 $0x13C0, s14  }
0xa: {  	s10 =	smul.u32 $0x27800, s14;
	_ =	strace $0x80000047;
	[dreg:$0x5] =	wrdreg s8  }
0xb: {  	s13 =	smul.u32 $0x4F00, s14;
	s26 =	sshll.u32 s14, $0x6;
	[dreg:$0x6] =	wrdreg s19  }
0xc: {  	s14 =	simm.s32 $0xD;
	s20 =	sshll.u32 s6, $0x6;
	[dreg:$0x7] =	wrdreg s9  }
0xd: {  	s22 =	ssub.s32 $0x2, s6;
	p0 =	seq.s32 s6, $0x0;
	s16 =	sor.u32 $0x1C0D, s26  }
0xe: {  	s19 =	simm.s32 $0x7D;
	s26 =	simm.s32 $0x2;
	s2 =	sadd.s32 s2, s0  }
0xf: {  	s7 =	sor.u32 s20, s7;
	s11 =	sshrl.u32 s21, $0x3;
	s12 =	sshrl.u32 s22, $0x1  }
0x10: {  	s10 =	sshrl.u32 s10, $0x2;
	s23 =	sshrl.u32 s13, $0x2;
	s20 =	simm.s32 $0xA000  }
0x11: {  	s7 =	sshrl.u32 s7, $0x3;
	s9 =	ssub.s32 s22, s12;
	s24 =	sadd.s32 $0xC600, s2  }
0x12: {  	s10 =	sadd.s32 s10, s3;
	s22 =	simm.s32 $0xBF40;
	s7 =	sadd.s32 s7, s0  }
0x13: {  	s0 =	sadd.s32 s11, s0;
	[dreg:$0x8] =	wrdreg s24;
	s25 =	smax.u32 s9, $0x1  }
0x14: {  	s11 =	sadd.s32 s23, s4;
	s7 =	sadd.s32 $0x24800, s7;
	[dreg:$0xb] =	wrdreg s25  }
0x15: {  	s17 =	sshrl.u32 s10, $0x3;
	s0 =	sadd.s32 $0x22000, s0;
	[dreg:$0x9] =	wrdreg s7  }
0x16: {  	s23 =	simm.s32 $0x1;
	s24 =	simm.s32 $0xDE80;
	[dreg:$0xa] =	wrdreg s0  }
.Ltmp0:
0x17: {  	s0 =	simm.s32 $0x2600;
	s7 =	sadd.s32 s21, s4;
	(pc) =	sbr.rel .LBB2_1-.Ltmp0, $4  }
0x18: {  	s21 =	simm.s32 $0x6;
	s0 =	simm.s32 @!p0 $0x16600;
	p0 =	sne.s32 s6, $0x0  }
0x19: {  	s6 =	simm.s32 $0x8;
	s0 =	sadd.s32 s0, s2;
	s25 =	sshrl.u32 @!p0 s7, $0x3  }
0x1a: {  	s2 =	simm.s32 $0x5;
	[dreg:$0xc] =	wrdreg s0;
	s0 =	sshrl.u32 @!p0 s11, $0x3  }
0x1b: {  	s7 =	simm.s32 $0x0;
	[dreg:$0xd] =	wrdreg s0;
	s0 =	simm.s32 $0xC  }
.LBB2_9:
0x1c: {  	_ =	swait.ge [sflag:s2], $0x1F40  }
0x1d: {  	[sflag:s2] =	ssyncset.done $0x0  }
0x1e: {  	[sflag:s2] =	ssyncadd.s32 $0xFFFFE0C0  }
0x1f: {  	_ =	swait.ge [sflag:s21], $0x1F40  }
0x20: {  	[sflag:s21] =	ssyncset.done $0x0  }
0x21: {  	[sflag:s21] =	ssyncadd.s32 $0xFFFFE0C0  }
0x22: {  	_ =	swait.ge [sflag:s15], $0x1F40  }
0x23: {  	[sflag:s15] =	ssyncset.done $0x0  }
0x24: {  	[sflag:s15] =	ssyncadd.s32 $0xFFFFE0C0  }
0x25: {  	_ =	swait.ge [sflag:s6], $0x1F40  }
0x26: {  	[sflag:s6] =	ssyncset.done $0x0  }
0x27: {  	[sflag:s6] =	ssyncadd.s32 $0xFFFFE0C0  }
.LBB2_10:
0x28: {  	[bflag:$0x0] =	sbarrier.arrive $0xFFFF  }
0x29: {  	s9 =	simm.s32 $0x10;
	s8 =	rddreg [dreg:$0x9]  }
0x2a: {  	[hbm:s8@s9], [sflag:s16] =	dma.strided [spmem:s17@s6], $0x13C0, s23, $0x8   }
0x2b: {  	_ =	swait.ge [sflag:s14], $0x13C0  }
0x2c: {  	[sflag:s14] =	ssyncset.done $0x0  }
0x2d: {  	s8 =	rddreg [dreg:$0xa];
	[sflag:s14] =	ssyncadd.s32 $0xFFFFEC40  }
0x2e: {  	[hbm:s8], [sflag:s16] =	dma.local @!p0 [spmem:s25], $0x278  }
0x2f: {  	s8 =	simm.s32 @!p0 $0xD  }
0x30: {  	_ =	swait.ge @!p0 [sflag:s8], $0x278  }
0x31: {  	s7 =	sadd.s32 $0x1, s7;
	s18 =	rddreg [dreg:$0xb]  }
0x32: {  	p1 =	sne.s32 s7, s18  }
.Ltmp1:
0x33: {  	_ = 	snop;
	(pc) =	sbr.rel @!p1 .LBB2_11-.Ltmp1, $3  }
0x34: {  	_ =	sdelay $0x1  }
0x35: {  	[sflag:s8] =	ssyncset.done @!p0 $0x0  }
0x36: {  	[sflag:s8] =	ssyncadd.s32 @!p0 $0xFFFFFD88  }
.LBB2_1:
0x37: {  	s8 =	rddreg [dreg:$0xc]  }
0x38: {  	[tilespmem:s5], [sflag:$0xD] =	stream.linear.gather [hbm4b:s8+s5], $0x5000, $0x38;
	[tilespmem:$0x1D2A8] =	vst v63  }
0x39: {  	_ =	swait.ge [sflag:s14], $0x5000  }
0x3a: {  	[sflag:s14] =	ssyncset.done $0x0  }
0x3b: {  	s9 =	simm.s32 $0x5000;
	s12 =	rddreg [dreg:$0x8];
	[sflag:s14] =	ssyncadd.s32 $0xFFFFB000  }
0x3c: {  	[tilespmem:s9], [sflag:$0xD] =	stream.linear.gather [hbm4b:s12+s5], $0x5000, $0x38;
	[tilespmem:$0x1D2A8] =	vst v63  }
0x3d: {  	_ =	swait.ge [sflag:s14], $0x5000  }
0x3e: {  	[sflag:s14] =	ssyncset.done $0x0  }
0x3f: {  	s13 =	rddreg [dreg:$0x5];
	[sflag:s14] =	ssyncadd.s32 $0xFFFFB000  }
0x40: {  	[spmem:s17], [sflag:s16] =	dma.local [hbm:s13], $0x13C0  }
0x41: {  	_ =	swait.ge [sflag:s14], $0x13C0  }
0x42: {  	s8 =	simm.s32 @!p0 $0x1BB00;
	[sflag:s14] =	ssyncset.done $0x0  }
0x43: {  	s9 =	simm.s32 @!p0 $0x0;
	s10 =	rddreg [dreg:$0x7];
	[sflag:s14] =	ssyncadd.s32 $0xFFFFEC40  }
0x44: {  	[tilespmem:s8], [sflag:$0xD] =	stream.linear.gather @!p0 [hbm4b:s10+s9], $0x3E8, $0x38;
	[tilespmem:$0x1D2A8] =	vst v63  }
0x45: {  	s9 =	simm.s32 @!p0 $0xD  }
0x46: {  	_ =	swait.ge @!p0 [sflag:s9], $0x3E8  }
0x47: {  	[sflag:s9] =	ssyncset.done @!p0 $0x0;
	s10 =	rddreg [dreg:$0x6]  }
0x48: {  	s11 =	rddreg [dreg:$0xd];
	[sflag:s9] =	ssyncadd.s32 @!p0 $0xFFFFFC18  }
0x49: {  	[spmem:s11], [sflag:s16] =	dma.local @!p0 [hbm:s10], $0x278  }
0x4a: {  	_ =	swait.ge @!p0 [sflag:s9], $0x278  }
0x4b: {  	[sflag:s9] =	ssyncset.done @!p0 $0x0  }
.Ltmp2:
0x4c: {  	[sflag:s9] =	ssyncadd.s32 @!p0 $0xFFFFFD88;
	(pc) =	sbr.rel .LBB2_2-.Ltmp2, $4  }
0x4d: {  	[bflag:$0x0] =	sbarrier.arrive $0xFFFF  }
0x4e: {  	[tilespmem:s20], [sflag:$0x1] =	stream.indirect.gather [hbm4b:s1+s19], $0x40, s5, s19, $0xb8;
	[tilespmem:$0x1D2A8] =	vst v63  }
0x4f: {  	s18 =	simm.s32 $0x80;
	s10 =	simm.s32 $0x0;
	s9 =	simm.s32 $0x0  }
0x50: {  	[tilespmem:s22], [sflag:$0x2] =	stream.indirect.gather [hbm4b:s1+s19], $0x40, s18, s19, $0xb8;
	[tilespmem:$0x1D2A8] =	vst v63  }
.LBB2_5:
.Ltmp3:
0x51: {  	(pc) =	sbr.rel @p1 .LBB2_9-.Ltmp3, $1  }
0x52: {  	_ =	sdelay $0x3  }
.LBB2_6:
0x53: {  	_ =	swait.ge [sflag:s21], $0x1F40  }
0x54: {  	s11 =	sadd.s32 $0x280, s11;
	[sflag:s21] =	ssyncset.done $0x0  }
0x55: {  	s10 =	sadd.s32 $0x800, s10;
	s9 =	sadd.s32 $0xFFFFFFFF, s9;
	[sflag:s21] =	ssyncadd.s32 $0xFFFFE0C0  }
0x56: {  	[tilespmem:s22], [sflag:$0x2] =	stream.indirect.gather [hbm4b:s1+s19], $0x40, s11, s19, $0xb8;
	[tilespmem:$0x1D2A8] =	vst v63  }
.LBB2_2:
0x57: {  	_ =	swait.ge [sflag:s23], $0x1F40;
	p1 =	seq.s32 @!p0 s9, $0x0  }
0x58: {  	s11 =	sshra.s32 s10, $0x2;
	[sflag:s23] =	ssyncset.done $0x0;
	p1 =	por p1, p0  }
0x59: {  	s12 =	sadd.s32 $0x5000, s11;
	[sflag:s23] =	ssyncadd.s32 $0xFFFFE0C0;
	s13 =	simm.s32 @!p1 $0x9  }
0x5a: {  	[spmem:s3] =	stream.indirect.scatter.add.f32 [tilespmem:s20], [sflag:$0x5], $0x40, s12, s19, $0xb8;
	[tilespmem:$0x1D2A8] =	vst v63  }
0x5b: {  	_ =	swait.ge @!p1 [sflag:s13], $0x3E8  }
0x5c: {  	[sflag:s13] =	ssyncset.done @!p1 $0x0  }
0x5d: {  	p2 =	seq.s32 s9, $0x0;
	[sflag:s13] =	ssyncadd.s32 @!p1 $0xFFFFFC18;
	s13 =	simm.s32 @!p0 $0x7D  }
0x5e: {  	[spmem:s4] =	stream.indirect.scatter.add.f32 @!p0 [tilespmem:s8], [sflag:$0x9], $0x8, s12, s13, $0xb8;
	[tilespmem:$0x1D2A8] =	vst v63  }
0x5f: {  	s12 =	simm.s32 @!p2 $0x7  }
0x60: {  	_ =	swait.ge @!p2 [sflag:s12], $0x1F40  }
0x61: {  	[sflag:s12] =	ssyncset.done @!p2 $0x0  }
0x62: {  	s18 =	sadd.s32 $0x100, s11;
	[sflag:s12] =	ssyncadd.s32 @!p2 $0xFFFFE0C0  }
0x63: {  	[tilespmem:s24], [sflag:$0x3] =	stream.indirect.gather [hbm4b:s1+s19], $0x40, s18, s19, $0xb8;
	[tilespmem:$0x1D2A8] =	vst v63  }
0x64: {  	_ =	swait.ge [sflag:s26], $0x1F40  }
0x65: {  	[sflag:s26] =	ssyncset.done $0x0  }
0x66: {  	s12 =	sadd.s32 $0x5080, s11;
	s18 =	simm.s32 @!p1 $0xA;
	[sflag:s26] =	ssyncadd.s32 $0xFFFFE0C0  }
0x67: {  	[spmem:s3] =	stream.indirect.scatter.add.f32 [tilespmem:s22], [sflag:$0x6], $0x40, s12, s19, $0xb8;
	[tilespmem:$0x1D2A8] =	vst v63  }
0x68: {  	_ =	swait.ge @!p1 [sflag:s18], $0x3E8  }
0x69: {  	[sflag:s18] =	ssyncset.done @!p1 $0x0  }
0x6a: {  	[sflag:s18] =	ssyncadd.s32 @!p1 $0xFFFFFC18  }
0x6b: {  	[spmem:s4] =	stream.indirect.scatter.add.f32 @!p0 [tilespmem:s8], [sflag:$0xA], $0x8, s12, s13, $0xb8;
	[tilespmem:$0x1D2A8] =	vst v63  }
0x6c: {  	s12 =	simm.s32 @!p2 $0x8  }
0x6d: {  	_ =	swait.ge @!p2 [sflag:s12], $0x1F40  }
0x6e: {  	[sflag:s12] =	ssyncset.done @!p2 $0x0  }
0x6f: {  	s18 =	sadd.s32 $0x180, s11;
	[sflag:s12] =	ssyncadd.s32 @!p2 $0xFFFFE0C0  }
0x70: {  	[tilespmem:s28], [sflag:$0x4] =	stream.indirect.gather [hbm4b:s1+s19], $0x40, s18, s19, $0xb8;
	[tilespmem:$0x1D2A8] =	vst v63  }
0x71: {  	_ =	swait.ge [sflag:s29], $0x1F40  }
0x72: {  	[sflag:s29] =	ssyncset.done $0x0  }
0x73: {  	s12 =	sadd.s32 $0x5100, s11;
	s18 =	simm.s32 @!p1 $0xB;
	[sflag:s29] =	ssyncadd.s32 $0xFFFFE0C0  }
0x74: {  	[spmem:s3] =	stream.indirect.scatter.add.f32 [tilespmem:s24], [sflag:$0x7], $0x40, s12, s19, $0xb8;
	[tilespmem:$0x1D2A8] =	vst v63  }
0x75: {  	_ =	swait.ge @!p1 [sflag:s18], $0x3E8  }
0x76: {  	[sflag:s18] =	ssyncset.done @!p1 $0x0  }
0x77: {  	[sflag:s18] =	ssyncadd.s32 @!p1 $0xFFFFFC18;
	p1 =	seq.s32 s9, $0xFFFFFFD9  }
0x78: {  	[spmem:s4] =	stream.indirect.scatter.add.f32 @!p0 [tilespmem:s8], [sflag:$0xB], $0x8, s12, s13, $0xb8;
	[tilespmem:$0x1D2A8] =	vst v63  }
0x79: {  	s12 =	simm.s32 @!p1 $0x5  }
0x7a: {  	_ =	swait.ge @!p1 [sflag:s12], $0x1F40  }
0x7b: {  	[sflag:s12] =	ssyncset.done @!p1 $0x0  }
0x7c: {  	[sflag:s12] =	ssyncadd.s32 @!p1 $0xFFFFE0C0;
	s12 =	sshra.s32 @!p1 s10, $0x2  }
0x7d: {  	s13 =	simm.s32 @!p1 $0x7D;
	s18 =	simm.s32 @!p1 $0xA000;
	s12 =	sadd.s32 @!p1 $0x200, s12  }
0x7e: {  	[tilespmem:s18], [sflag:$0x1] =	stream.indirect.gather @!p1 [hbm4b:s1+s13], $0x40, s12, s13, $0xb8;
	[tilespmem:$0x1D2A8] =	vst v63  }
.Ltmp4:
0x7f: {  	_ = 	snop;
	(pc) =	sbr.rel @p0 .LBB2_5-.Ltmp4, $4  }
0x80: {  	_ =	swait.ge [sflag:s30], $0x1F40  }
0x81: {  	[sflag:s30] =	ssyncset.done $0x0  }
0x82: {  	s12 =	sadd.s32 $0x5180, s11;
	[sflag:s30] =	ssyncadd.s32 $0xFFFFE0C0  }
0x83: {  	[spmem:s3] =	stream.indirect.scatter.add.f32 [tilespmem:s28], [sflag:$0x8], $0x40, s12, s19, $0xb8;
	[tilespmem:$0x1D2A8] =	vst v63  }
0x84: {  	p2 =	sne.s32 s9, $0x0  }
.Ltmp5:
0x85: {  	_ = 	snop;
	(pc) =	sbr.rel @!p2 .LBB2_4-.Ltmp5, $1  }
0x86: {  	_ =	sdelay $0x3  }
.Ltmp6:
0x87: {  	(pc) =	sbr.rel @!p1 .LBB2_6-.Ltmp6, $4  }
.Ltmp7:
0x88: {  	_ =	swait.ge [sflag:s0], $0x3E8;
	(pc) =	sbr.rel @p1 .LBB2_8-.Ltmp7, $4  }
0x89: {  	[sflag:s0] =	ssyncset.done $0x0  }
0x8a: {  	[sflag:s0] =	ssyncadd.s32 $0xFFFFFC18  }
0x8b: {  	[spmem:s4] =	stream.indirect.scatter.add.f32 [tilespmem:s31], [sflag:$0xC], $0x8, s12, s19, $0xb8;
	[tilespmem:$0x1D2A8] =	vst v63  }
0x8c: {  	_ = 	snop  }
.LBB2_4:
.Ltmp8:
0x8d: {  	(pc) =	sbr.rel .LBB2_6-.Ltmp8, $2  }
0x8e: {  	_ =	sdelay $0x2  }
0x8f: {  	[spmem:s4] =	stream.indirect.scatter.add.f32 [tilespmem:s31], [sflag:$0xC], $0x8, s12, s19, $0xb8;
	[tilespmem:$0x1D2A8] =	vst v63  }
.LBB2_8:
0x90: {  	_ =	swait.ge [sflag:s2], $0x1F40  }
0x91: {  	[sflag:s2] =	ssyncset.done $0x0  }
0x92: {  	s8 =	simm.s32 $0x9;
	[sflag:s2] =	ssyncadd.s32 $0xFFFFE0C0  }
0x93: {  	_ =	swait.ge [sflag:s8], $0x3E8  }
0x94: {  	[sflag:s8] =	ssyncset.done $0x0  }
0x95: {  	[sflag:s8] =	ssyncadd.s32 $0xFFFFFC18  }
0x96: {  	_ =	swait.ge [sflag:s21], $0x1F40  }
0x97: {  	[sflag:s21] =	ssyncset.done $0x0  }
0x98: {  	s13 =	simm.s32 $0xA;
	[sflag:s21] =	ssyncadd.s32 $0xFFFFE0C0  }
0x99: {  	_ =	swait.ge [sflag:s13], $0x3E8  }
0x9a: {  	[sflag:s13] =	ssyncset.done $0x0  }
0x9b: {  	[sflag:s13] =	ssyncadd.s32 $0xFFFFFC18  }
0x9c: {  	_ =	swait.ge [sflag:s15], $0x1F40  }
0x9d: {  	[sflag:s15] =	ssyncset.done $0x0  }
0x9e: {  	s18 =	simm.s32 $0xB;
	[sflag:s15] =	ssyncadd.s32 $0xFFFFE0C0  }
0x9f: {  	_ =	swait.ge [sflag:s18], $0x3E8  }
0xa0: {  	[sflag:s18] =	ssyncset.done $0x0  }
0xa1: {  	[sflag:s18] =	ssyncadd.s32 $0xFFFFFC18  }
0xa2: {  	_ =	swait.ge [sflag:s6], $0x1F40  }
.Ltmp9:
0xa3: {  	[sflag:s6] =	ssyncset.done $0x0;
	(pc) =	sbr.rel .LBB2_10-.Ltmp9, $4  }
0xa4: {  	[sflag:s6] =	ssyncadd.s32 $0xFFFFE0C0  }
0xa5: {  	_ =	swait.ge [sflag:s0], $0x3E8  }
0xa6: {  	[sflag:s0] =	ssyncset.done $0x0  }
0xa7: {  	[sflag:s0] =	ssyncadd.s32 $0xFFFFFC18  }
.LBB2_11:
0xa8: {  	_ =	sfence.sel $0x180000  }
0xa9: {  	[bflag:$0x0] =	sbarrier.arrive $0xFFFF  }
0xaa: {  	_ =	strace $0x90000047  }
0xab: {  	s0 =	stileid.u32;
	[bflag:$0x2] =	sbarrier.arrive $0xFFFF  }
0xac: {  	p0 =	sne.s32 s0, $0x0;
	s0 =	rddreg [dreg:$0x4]  }
0xad: {  	s0 =	sadd.s32 @!p0 $0x100000, s0  }
0xae: {  	[sflag:s0] =	ssyncadd.tile.s32 @!p0 $0x1;
	_ =	shalt  }
.Lfunc_end2:
_tile_overlayer_lowered:
.L_overlay_start_2:
0xaf: {  	(tag) =	ssettag $0x2  }
0xb0: {  	s0 =	rddreg [dreg:$0x0];
	s2 =	stileid.u32  }
0xb1: {  	s1 =	rddreg [dreg:$0x1];
	p0 =	sne.s32 s2, $0x0  }
0xb2: {  	s3 =	rddreg [dreg:$0x2];
	[bflag:$0x3] =	sbarrier.arrive $0xFFFF;
	s2 =	simm.s32 @!p0 $0x1C0D  }
0xb3: {  	[timem:s3], [sflag:s2] =	dma.local @!p0 [hbm:s0], s1  }
0xb4: {  	s0 =	simm.s32 @!p0 $0xD  }
0xb5: {  	_ =	swait.ge @!p0 [sflag:s0], s1  }
0xb6: {  	s1 =	ssub.s32 @!p0 $0x0, s1;
	[sflag:s0] =	ssyncset.done @!p0 $0x0  }
0xb7: {  	[sflag:s0] =	ssyncadd.s32 @!p0 s1  }
0xb8: {  	[bflag:$0x3] =	sbarrier.arrive $0xFFFF  }
0xb9: {  	_ =	shalt  }

</sc_bundles>
